<compile_context>
chip_gen: v7x
topology: tpu7x:2x2x1
jax: 0.10.2.dev20260603
libtpu: 0.0.44.dev20260713+nightly
codegen_flags: <defaults>
</compile_context>

<pallas_src>
import functools

import jax
import jax.numpy as jnp
from jax import lax
from jax.experimental import pallas as pl
from jax.experimental.pallas import tpu as pltpu
from jax.experimental.pallas import tpu_sc as plsc

_B = 16384
_D = 128
_C = 100000
_CP = 102400
_HSLICE = _CP // 16
_NW = 32
_RPT = _B // _NW
_YROWS = _B // 128

_mesh = plsc.VectorSubcoreMesh(core_axis_name="c", subcore_axis_name="s")


@functools.partial(
    pl.kernel,
    mesh=_mesh,
    out_type=(
        jax.ShapeDtypeStruct((_B, _D), jnp.float32),
        jax.ShapeDtypeStruct((_YROWS, 128), jnp.float32),
    ),
    scratch_types=[
        pltpu.VMEM((8, 128), jnp.int32),
        pltpu.VMEM((4, 128), jnp.int32),
        pltpu.VMEM((128,), jnp.float32),
        pltpu.VMEM((128,), jnp.float32),
        pltpu.VMEM((4, 128), jnp.float32),
        pltpu.VMEM((_RPT, _D), jnp.float32),
        pltpu.VMEM_SHARED((_CP,), jnp.float32),
        pltpu.SemaphoreType.DMA,
        pltpu.SemaphoreType.DMA,
        pltpu.SemaphoreType.DMA,
        pltpu.SemaphoreType.DMA,
    ],
)
def _sc_hist_gather(y2_hbm, centers_hbm, cp_hbm, cnt_hbm,
                    yh_v, yg_v, ones_v, zeros_v, cnt_v, rows_v, hist_sh,
                    semg, semh, semc, semw):
    cid = lax.axis_index("c")
    sid = lax.axis_index("s")
    wid = sid * 2 + cid

    ld_g = pltpu.async_copy(y2_hbm.at[pl.ds(wid * 4, 4)], yg_v, semc)
    ld_h = pltpu.async_copy(y2_hbm.at[pl.ds(sid * 8, 8)], yh_v, semc)
    for k in range(8):
        ones_v[pl.ds(k * 16, 16)] = jnp.ones((16,), jnp.float32)
        zeros_v[pl.ds(k * 16, 16)] = jnp.zeros((16,), jnp.float32)
    ld_g.wait()

    gathers = [
        pltpu.async_copy(centers_hbm.at[yg_v.at[j]],
                         rows_v.at[pl.ds(j * 128, 128)], semg)
        for j in range(4)
    ]

    ld_h.wait()
    zs = [pltpu.async_copy(zeros_v, hist_sh.at[yh_v.at[j]], semh)
          for j in range(8)]
    for z in zs:
        z.wait()
    plsc.subcore_barrier()
    adds = [pltpu.async_copy(ones_v, hist_sh.at[yh_v.at[j]], semh, add=True)
            for j in range(8)]
    for a in adds:
        a.wait()
    plsc.subcore_barrier()

    cnts = [pltpu.async_copy(hist_sh.at[yg_v.at[j]], cnt_v.at[j], semc)
            for j in range(4)]

    writes = []
    for j in range(4):
        gathers[j].wait()
        writes.append(pltpu.async_copy(
            rows_v.at[pl.ds(j * 128, 128)],
            cp_hbm.at[pl.ds(wid * _RPT + j * 128, 128)], semw))
    for c in cnts:
        c.wait()
    pltpu.sync_copy(cnt_v, cnt_hbm.at[pl.ds(wid * 4, 4)])
    for wdma in writes:
        wdma.wait()


_ROWS_PER_STEP = 4096
_STEPS = _B // _ROWS_PER_STEP


def _tc_body(f_ref, c_ref, cnt_ref, out_ref, a0, a1, a2, a3, a4):
    i = pl.program_id(0)

    @pl.when(i == 0)
    def _init():
        for a in (a0, a1, a2, a3, a4):
            a[...] = jnp.zeros((1, _D), jnp.float32)

    f = f_ref[...]
    c = c_ref[...]
    w16 = 1.0 / (cnt_ref[...] + 1.0)
    ff = f * f
    cc = c * c
    fc = f * c
    sp = jnp.zeros((2, _D), jnp.float32)
    sq = jnp.zeros((2, _D), jnp.float32)
    r = jnp.zeros((1, _D), jnp.float32)
    ones_row = jnp.ones((1, 128), jnp.float32)
    for k in range(_ROWS_PER_STEP // 128):
        wk = w16[k:k + 1, :]
        lhs = jnp.concatenate([ones_row, wk], axis=0)
        sl = slice(k * 128, (k + 1) * 128)
        sp += jax.lax.dot(lhs, ff[sl, :],
                          preferred_element_type=jnp.float32)
        sq += jax.lax.dot(lhs, cc[sl, :],
                          preferred_element_type=jnp.float32)
        r += jax.lax.dot(wk, fc[sl, :],
                         preferred_element_type=jnp.float32)
    a0[...] += sp[0:1, :]
    a2[...] += sp[1:2, :]
    a1[...] += sq[0:1, :]
    a3[...] += sq[1:2, :]
    a4[...] += r

    @pl.when(i == _STEPS - 1)
    def _finish():
        nf = jnp.sqrt(a0[...])
        nc = jnp.sqrt(a1[...])
        sf = jnp.where(nf > 1e-5, 1e-5 / jnp.maximum(nf, 1e-30), 1.0) * 1e5
        sc = jnp.where(nc > 1e-5, 1e-5 / jnp.maximum(nc, 1e-30), 1.0) * 1e5
        val = sf * sf * a2[...] + sc * sc * a3[...] - 2.0 * (sf * sc) * a4[...]
        out_ref[...] = 0.5 * jnp.sum(val, axis=1, keepdims=True)


def _tc_loss(feat, cp, cnt):
    return pl.pallas_call(
        _tc_body,
        grid=(_STEPS,),
        in_specs=[
            pl.BlockSpec((_ROWS_PER_STEP, _D), lambda i: (i, 0)),
            pl.BlockSpec((_ROWS_PER_STEP, _D), lambda i: (i, 0)),
            pl.BlockSpec((_ROWS_PER_STEP // 128, 128), lambda i: (i, 0)),
        ],
        out_specs=pl.BlockSpec((1, 1), lambda i: (0, 0)),
        out_shape=jax.ShapeDtypeStruct((1, 1), jnp.float32),
        scratch_shapes=[pltpu.VMEM((1, _D), jnp.float32)] * 5,
    )(feat, cp, cnt)


def kernel(y, feat, centers):
    y2 = y.astype(jnp.int32).reshape(_YROWS, 128)
    cp, cnt2 = _sc_hist_gather(y2, centers)
    loss = _tc_loss(feat, cp, cnt2)
    return loss[0, 0]

# --- scband reference (transcript-rebuilt; emitter-appended) ---
"""Pipeline reference for scband-center-loss-26173530702198 (READ-ONLY COPY).

The authoritative reference and input builder live on the scoring server;
editing this copy changes nothing except your own understanding.
"""

import jax, jax.numpy as jnp
import numpy as np

NUM_CLASSES = 100000
FEAT_DIM = 128
BATCH = 16384
LOSS_WEIGHT = 1.0


def _renorm_cols(x, maxnorm=1e-05):
    # torch.renorm(p=2, dim=1, maxnorm): each sub-tensor along dim 1 (i.e. each
    # column x[:, j]) is rescaled so its L2 norm is at most maxnorm.
    norms = jnp.sqrt(jnp.sum(x * x, axis=0))
    scale = jnp.where(norms > maxnorm, maxnorm / jnp.maximum(norms, 1e-30), 1.0)
    return x * scale[None, :]


def setup_inputs(seed: int = 0) -> dict:
    key = jax.random.key(seed)
    k1, k2, k3 = jax.random.split(key, 3)
    y = jax.random.randint(k1, (BATCH,), 0, NUM_CLASSES)
    feat = jax.random.normal(k2, (BATCH, FEAT_DIM), dtype=jnp.float32)
    centers = jax.random.normal(k3, (NUM_CLASSES, FEAT_DIM), dtype=jnp.float32)
    return {"y": y, "feat": feat, "centers": centers}


def reference(y, feat, centers):
    # torch.histc(y.float(), bins=num_classes, min=0, max=num_classes) with
    # integer labels in [0, num_classes) is an exact per-class count.
    hist = jnp.bincount(y, length=NUM_CLASSES).astype(jnp.float32) + 1.0
    centers_count = jnp.take(hist, y, axis=0)
    centers_pred = jnp.take(centers, y, axis=0)
    centers_pred_norm = _renorm_cols(centers_pred) * 100000.0
    feat_norm = _renorm_cols(feat) * 100000.0
    diff = feat_norm - centers_pred_norm
    loss = LOSS_WEIGHT * 0.5 * jnp.sum(jnp.sum(diff * diff, axis=1) / centers_count)
    return loss

if __name__ == "__main__":
    import jax
    _d = setup_inputs()
    print(jax.jit(kernel)(*tuple(_d.values())))

</pallas_src>

<mosaic_0001>
#map = affine_map<(d0, d1) -> (0, 0)>
module attributes {stable_mosaic.version = 14 : i64} {
  func.func @_sc_hist_gather(%arg0: i32, %arg1: i32, %arg2: memref<128x128xi32, #tpu.memory_space<hbm>>, %arg3: memref<100000x128xf32, #tpu.memory_space<hbm>>, %arg4: memref<16384x128xf32, #tpu.memory_space<hbm>>, %arg5: memref<128x128xf32, #tpu.memory_space<hbm>>, %arg6: memref<8x128xi32, #tpu.memory_space<vmem>>, %arg7: memref<4x128xi32, #tpu.memory_space<vmem>>, %arg8: memref<128xf32, #tpu.memory_space<vmem>>, %arg9: memref<128xf32, #tpu.memory_space<vmem>>, %arg10: memref<4x128xf32, #tpu.memory_space<vmem>>, %arg11: memref<512x128xf32, #tpu.memory_space<vmem>>, %arg12: memref<102400xf32, #tpu.memory_space<vmem_shared>>, %arg13: memref<!tpu.dma_semaphore, #tpu.memory_space<semaphore_mem>>, %arg14: memref<!tpu.dma_semaphore, #tpu.memory_space<semaphore_mem>>, %arg15: memref<!tpu.dma_semaphore, #tpu.memory_space<semaphore_mem>>, %arg16: memref<!tpu.dma_semaphore, #tpu.memory_space<semaphore_mem>>) attributes {dimension_semantics = [#tpu.dimension_semantics<core_parallel>, #tpu.dimension_semantics<subcore_parallel>], iteration_bounds = array<i64: 2, 16>, scalar_prefetch = 0 : i64, scratch_operands = 11 : i64, tpu.core_type = #tpu.core_type<sc_vector_subcore>, window_params = [{transform_indices = #map}, {transform_indices = #map}, {transform_indices = #map}, {transform_indices = #map}]} {
    %mul3A = arith.constant 2 : i32
    %mul3A_0 = arith.muli %arg1, %mul3A : i32
    %add3A = arith.addi %mul3A_0, %arg0 : i32
    %mul3A_1 = arith.constant 4 : i32
    %mul3A_2 = arith.muli %add3A, %mul3A_1 : i32
    %dma_start3A = arith.constant 0 : i32
    %dma_start3A_3 = tpu.memref_slice %arg2[%mul3A_2, %dma_start3A] : memref<128x128xi32, #tpu.memory_space<hbm>> -> memref<4x128xi32, #tpu.memory_space<hbm>>
    %dma_start3A_4 = arith.constant 0 : i32
    %dma_start3A_5 = tpu.memref_slice %arg2[%mul3A_2, %dma_start3A_4] : memref<128x128xi32, #tpu.memory_space<hbm>> -> memref<4x128xi32, #tpu.memory_space<hbm>>
    tpu.enqueue_dma source(%dma_start3A_5 : memref<4x128xi32, #tpu.memory_space<hbm>>) target(%arg7 : memref<4x128xi32, #tpu.memory_space<vmem>>) target_semaphore(%arg15 : memref<!tpu.dma_semaphore, #tpu.memory_space<semaphore_mem>>)
    %mul3A_6 = arith.constant 8 : i32
    %mul3A_7 = arith.muli %arg1, %mul3A_6 : i32
    %dma_start3A_8 = arith.constant 0 : i32
    %dma_start3A_9 = tpu.memref_slice %arg2[%mul3A_7, %dma_start3A_8] : memref<128x128xi32, #tpu.memory_space<hbm>> -> memref<8x128xi32, #tpu.memory_space<hbm>>
    %dma_start3A_10 = arith.constant 0 : i32
    %dma_start3A_11 = tpu.memref_slice %arg2[%mul3A_7, %dma_start3A_10] : memref<128x128xi32, #tpu.memory_space<hbm>> -> memref<8x128xi32, #tpu.memory_space<hbm>>
    tpu.enqueue_dma source(%dma_start3A_11 : memref<8x128xi32, #tpu.memory_space<hbm>>) target(%arg6 : memref<8x128xi32, #tpu.memory_space<vmem>>) target_semaphore(%arg15 : memref<!tpu.dma_semaphore, #tpu.memory_space<semaphore_mem>>)
    %broadcast_in_dim3A = arith.constant 1.000000e+00 : f32
    %broadcast_in_dim3A_12 = vector.broadcast %broadcast_in_dim3A : f32 to vector<16xf32>
    %swap3A = arith.constant 0 : index
    %swap3A_13 = tpu.vector_load %arg8[%swap3A] {strides = array<i32>} : memref<128xf32, #tpu.memory_space<vmem>>, vector<16xf32>,
    %swap3A_14 = vector.shape_cast %swap3A_13 : vector<16xf32> to vector<16xf32>
    %swap3A_15 = vector.shape_cast %broadcast_in_dim3A_12 : vector<16xf32> to vector<16xf32>
    tpu.vector_store %arg8[%swap3A], %swap3A_15 {strides = array<i32>} : memref<128xf32, #tpu.memory_space<vmem>>, vector<16xf32>,
    %broadcast_in_dim3A_16 = arith.constant 0.000000e+00 : f32
    %broadcast_in_dim3A_17 = vector.broadcast %broadcast_in_dim3A_16 : f32 to vector<16xf32>
    %swap3A_18 = arith.constant 0 : index
    %swap3A_19 = tpu.vector_load %arg9[%swap3A_18] {strides = array<i32>} : memref<128xf32, #tpu.memory_space<vmem>>, vector<16xf32>,
    %swap3A_20 = vector.shape_cast %swap3A_19 : vector<16xf32> to vector<16xf32>
    %swap3A_21 = vector.shape_cast %broadcast_in_dim3A_17 : vector<16xf32> to vector<16xf32>
    tpu.vector_store %arg9[%swap3A_18], %swap3A_21 {strides = array<i32>} : memref<128xf32, #tpu.memory_space<vmem>>, vector<16xf32>,
    %broadcast_in_dim3A_22 = arith.constant 1.000000e+00 : f32
    %broadcast_in_dim3A_23 = vector.broadcast %broadcast_in_dim3A_22 : f32 to vector<16xf32>
    %swap3A_24 = arith.constant 16 : index
    %swap3A_25 = tpu.vector_load %arg8[%swap3A_24] {strides = array<i32>} : memref<128xf32, #tpu.memory_space<vmem>>, vector<16xf32>,
    %swap3A_26 = vector.shape_cast %swap3A_25 : vector<16xf32> to vector<16xf32>
    %swap3A_27 = vector.shape_cast %broadcast_in_dim3A_23 : vector<16xf32> to vector<16xf32>
    tpu.vector_store %arg8[%swap3A_24], %swap3A_27 {strides = array<i32>} : memref<128xf32, #tpu.memory_space<vmem>>, vector<16xf32>,
    %broadcast_in_dim3A_28 = arith.constant 0.000000e+00 : f32
    %broadcast_in_dim3A_29 = vector.broadcast %broadcast_in_dim3A_28 : f32 to vector<16xf32>
    %swap3A_30 = arith.constant 16 : index
    %swap3A_31 = tpu.vector_load %arg9[%swap3A_30] {strides = array<i32>} : memref<128xf32, #tpu.memory_space<vmem>>, vector<16xf32>,
    %swap3A_32 = vector.shape_cast %swap3A_31 : vector<16xf32> to vector<16xf32>
    %swap3A_33 = vector.shape_cast %broadcast_in_dim3A_29 : vector<16xf32> to vector<16xf32>
    tpu.vector_store %arg9[%swap3A_30], %swap3A_33 {strides = array<i32>} : memref<128xf32, #tpu.memory_space<vmem>>, vector<16xf32>,
    %broadcast_in_dim3A_34 = arith.constant 1.000000e+00 : f32
    %broadcast_in_dim3A_35 = vector.broadcast %broadcast_in_dim3A_34 : f32 to vector<16xf32>
    %swap3A_36 = arith.constant 32 : index
    %swap3A_37 = tpu.vector_load %arg8[%swap3A_36] {strides = array<i32>} : memref<128xf32, #tpu.memory_space<vmem>>, vector<16xf32>,
    %swap3A_38 = vector.shape_cast %swap3A_37 : vector<16xf32> to vector<16xf32>
    %swap3A_39 = vector.shape_cast %broadcast_in_dim3A_35 : vector<16xf32> to vector<16xf32>
    tpu.vector_store %arg8[%swap3A_36], %swap3A_39 {strides = array<i32>} : memref<128xf32, #tpu.memory_space<vmem>>, vector<16xf32>,
    %broadcast_in_dim3A_40 = arith.constant 0.000000e+00 : f32
    %broadcast_in_dim3A_41 = vector.broadcast %broadcast_in_dim3A_40 : f32 to vector<16xf32>
    %swap3A_42 = arith.constant 32 : index
    %swap3A_43 = tpu.vector_load %arg9[%swap3A_42] {strides = array<i32>} : memref<128xf32, #tpu.memory_space<vmem>>, vector<16xf32>,
    %swap3A_44 = vector.shape_cast %swap3A_43 : vector<16xf32> to vector<16xf32>
    %swap3A_45 = vector.shape_cast %broadcast_in_dim3A_41 : vector<16xf32> to vector<16xf32>
    tpu.vector_store %arg9[%swap3A_42], %swap3A_45 {strides = array<i32>} : memref<128xf32, #tpu.memory_space<vmem>>, vector<16xf32>,
    %broadcast_in_dim3A_46 = arith.constant 1.000000e+00 : f32
    %broadcast_in_dim3A_47 = vector.broadcast %broadcast_in_dim3A_46 : f32 to vector<16xf32>
    %swap3A_48 = arith.constant 48 : index
    %swap3A_49 = tpu.vector_load %arg8[%swap3A_48] {strides = array<i32>} : memref<128xf32, #tpu.memory_space<vmem>>, vector<16xf32>,
    %swap3A_50 = vector.shape_cast %swap3A_49 : vector<16xf32> to vector<16xf32>
    %swap3A_51 = vector.shape_cast %broadcast_in_dim3A_47 : vector<16xf32> to vector<16xf32>
    tpu.vector_store %arg8[%swap3A_48], %swap3A_51 {strides = array<i32>} : memref<128xf32, #tpu.memory_space<vmem>>, vector<16xf32>,
    %broadcast_in_dim3A_52 = arith.constant 0.000000e+00 : f32
    %broadcast_in_dim3A_53 = vector.broadcast %broadcast_in_dim3A_52 : f32 to vector<16xf32>
    %swap3A_54 = arith.constant 48 : index
    %swap3A_55 = tpu.vector_load %arg9[%swap3A_54] {strides = array<i32>} : memref<128xf32, #tpu.memory_space<vmem>>, vector<16xf32>,
    %swap3A_56 = vector.shape_cast %swap3A_55 : vector<16xf32> to vector<16xf32>
    %swap3A_57 = vector.shape_cast %broadcast_in_dim3A_53 : vector<16xf32> to vector<16xf32>
    tpu.vector_store %arg9[%swap3A_54], %swap3A_57 {strides = array<i32>} : memref<128xf32, #tpu.memory_space<vmem>>, vector<16xf32>,
    %broadcast_in_dim3A_58 = arith.constant 1.000000e+00 : f32
    %broadcast_in_dim3A_59 = vector.broadcast %broadcast_in_dim3A_58 : f32 to vector<16xf32>
    %swap3A_60 = arith.constant 64 : index
    %swap3A_61 = tpu.vector_load %arg8[%swap3A_60] {strides = array<i32>} : memref<128xf32, #tpu.memory_space<vmem>>, vector<16xf32>,
    %swap3A_62 = vector.shape_cast %swap3A_61 : vector<16xf32> to vector<16xf32>
    %swap3A_63 = vector.shape_cast %broadcast_in_dim3A_59 : vector<16xf32> to vector<16xf32>
    tpu.vector_store %arg8[%swap3A_60], %swap3A_63 {strides = array<i32>} : memref<128xf32, #tpu.memory_space<vmem>>, vector<16xf32>,
    %broadcast_in_dim3A_64 = arith.constant 0.000000e+00 : f32
    %broadcast_in_dim3A_65 = vector.broadcast %broadcast_in_dim3A_64 : f32 to vector<16xf32>
    %swap3A_66 = arith.constant 64 : index
    %swap3A_67 = tpu.vector_load %arg9[%swap3A_66] {strides = array<i32>} : memref<128xf32, #tpu.memory_space<vmem>>, vector<16xf32>,
    %swap3A_68 = vector.shape_cast %swap3A_67 : vector<16xf32> to vector<16xf32>
    %swap3A_69 = vector.shape_cast %broadcast_in_dim3A_65 : vector<16xf32> to vector<16xf32>
    tpu.vector_store %arg9[%swap3A_66], %swap3A_69 {strides = array<i32>} : memref<128xf32, #tpu.memory_space<vmem>>, vector<16xf32>,
    %broadcast_in_dim3A_70 = arith.constant 1.000000e+00 : f32
    %broadcast_in_dim3A_71 = vector.broadcast %broadcast_in_dim3A_70 : f32 to vector<16xf32>
    %swap3A_72 = arith.constant 80 : index
    %swap3A_73 = tpu.vector_load %arg8[%swap3A_72] {strides = array<i32>} : memref<128xf32, #tpu.memory_space<vmem>>, vector<16xf32>,
    %swap3A_74 = vector.shape_cast %swap3A_73 : vector<16xf32> to vector<16xf32>
    %swap3A_75 = vector.shape_cast %broadcast_in_dim3A_71 : vector<16xf32> to vector<16xf32>
    tpu.vector_store %arg8[%swap3A_72], %swap3A_75 {strides = array<i32>} : memref<128xf32, #tpu.memory_space<vmem>>, vector<16xf32>,
    %broadcast_in_dim3A_76 = arith.constant 0.000000e+00 : f32
    %broadcast_in_dim3A_77 = vector.broadcast %broadcast_in_dim3A_76 : f32 to vector<16xf32>
    %swap3A_78 = arith.constant 80 : index
    %swap3A_79 = tpu.vector_load %arg9[%swap3A_78] {strides = array<i32>} : memref<128xf32, #tpu.memory_space<vmem>>, vector<16xf32>,
    %swap3A_80 = vector.shape_cast %swap3A_79 : vector<16xf32> to vector<16xf32>
    %swap3A_81 = vector.shape_cast %broadcast_in_dim3A_77 : vector<16xf32> to vector<16xf32>
    tpu.vector_store %arg9[%swap3A_78], %swap3A_81 {strides = array<i32>} : memref<128xf32, #tpu.memory_space<vmem>>, vector<16xf32>,
    %broadcast_in_dim3A_82 = arith.constant 1.000000e+00 : f32
    %broadcast_in_dim3A_83 = vector.broadcast %broadcast_in_dim3A_82 : f32 to vector<16xf32>
    %swap3A_84 = arith.constant 96 : index
    %swap3A_85 = tpu.vector_load %arg8[%swap3A_84] {strides = array<i32>} : memref<128xf32, #tpu.memory_space<vmem>>, vector<16xf32>,
    %swap3A_86 = vector.shape_cast %swap3A_85 : vector<16xf32> to vector<16xf32>
    %swap3A_87 = vector.shape_cast %broadcast_in_dim3A_83 : vector<16xf32> to vector<16xf32>
    tpu.vector_store %arg8[%swap3A_84], %swap3A_87 {strides = array<i32>} : memref<128xf32, #tpu.memory_space<vmem>>, vector<16xf32>,
    %broadcast_in_dim3A_88 = arith.constant 0.000000e+00 : f32
    %broadcast_in_dim3A_89 = vector.broadcast %broadcast_in_dim3A_88 : f32 to vector<16xf32>
    %swap3A_90 = arith.constant 96 : index
    %swap3A_91 = tpu.vector_load %arg9[%swap3A_90] {strides = array<i32>} : memref<128xf32, #tpu.memory_space<vmem>>, vector<16xf32>,
    %swap3A_92 = vector.shape_cast %swap3A_91 : vector<16xf32> to vector<16xf32>
    %swap3A_93 = vector.shape_cast %broadcast_in_dim3A_89 : vector<16xf32> to vector<16xf32>
    tpu.vector_store %arg9[%swap3A_90], %swap3A_93 {strides = array<i32>} : memref<128xf32, #tpu.memory_space<vmem>>, vector<16xf32>,
    %broadcast_in_dim3A_94 = arith.constant 1.000000e+00 : f32
    %broadcast_in_dim3A_95 = vector.broadcast %broadcast_in_dim3A_94 : f32 to vector<16xf32>
    %swap3A_96 = arith.constant 112 : index
    %swap3A_97 = tpu.vector_load %arg8[%swap3A_96] {strides = array<i32>} : memref<128xf32, #tpu.memory_space<vmem>>, vector<16xf32>,
    %swap3A_98 = vector.shape_cast %swap3A_97 : vector<16xf32> to vector<16xf32>
    %swap3A_99 = vector.shape_cast %broadcast_in_dim3A_95 : vector<16xf32> to vector<16xf32>
    tpu.vector_store %arg8[%swap3A_96], %swap3A_99 {strides = array<i32>} : memref<128xf32, #tpu.memory_space<vmem>>, vector<16xf32>,
    %broadcast_in_dim3A_100 = arith.constant 0.000000e+00 : f32
    %broadcast_in_dim3A_101 = vector.broadcast %broadcast_in_dim3A_100 : f32 to vector<16xf32>
    %swap3A_102 = arith.constant 112 : index
    %swap3A_103 = tpu.vector_load %arg9[%swap3A_102] {strides = array<i32>} : memref<128xf32, #tpu.memory_space<vmem>>, vector<16xf32>,
    %swap3A_104 = vector.shape_cast %swap3A_103 : vector<16xf32> to vector<16xf32>
    %swap3A_105 = vector.shape_cast %broadcast_in_dim3A_101 : vector<16xf32> to vector<16xf32>
    tpu.vector_store %arg9[%swap3A_102], %swap3A_105 {strides = array<i32>} : memref<128xf32, #tpu.memory_space<vmem>>, vector<16xf32>,
    %dma_wait3A = arith.constant 0 : i32
    %dma_wait3A_106 = tpu.memref_slice %arg2[%mul3A_2, %dma_wait3A] : memref<128x128xi32, #tpu.memory_space<hbm>> -> memref<4x128xi32, #tpu.memory_space<hbm>>
    %dma_wait3A_107 = arith.constant 0 : i32
    %dma_wait3A_108 = tpu.memref_slice %arg2[%mul3A_2, %dma_wait3A_107] : memref<128x128xi32, #tpu.memory_space<hbm>> -> memref<4x128xi32, #tpu.memory_space<hbm>>
    tpu.wait_dma2 semaphore(%arg15 : memref<!tpu.dma_semaphore, #tpu.memory_space<semaphore_mem>>) src(%dma_wait3A_108 : memref<4x128xi32, #tpu.memory_space<hbm>>) dst(%arg7 : memref<4x128xi32, #tpu.memory_space<vmem>>)
    %dma_start3A_109 = arith.constant 0 : i32
    %dma_start3A_110 = arith.constant 0 : i32
    %dma_start3A_111 = arith.constant 0 : i32
    %dma_start3A_112 = tpu.memref_slice %arg11[%dma_start3A_110, %dma_start3A_111] : memref<512x128xf32, #tpu.memory_space<vmem>> -> memref<128x128xf32, #tpu.memory_space<vmem>>
    %dma_start3A_113 = arith.constant 0 : i32
    %dma_start3A_114 = tpu.memref_slice %arg7[%dma_start3A_109, %dma_start3A_113] : memref<4x128xi32, #tpu.memory_space<vmem>> -> memref<1x128xi32, #tpu.memory_space<vmem>>
    %dma_start3A_115 = tpu.memref_squeeze %dma_start3A_114 : memref<1x128xi32, #tpu.memory_space<vmem>> -> memref<128xi32, #tpu.memory_space<vmem>>
    %dma_start3A_116 = arith.constant 0 : i32
    %dma_start3A_117 = arith.constant 0 : i32
    %dma_start3A_118 = tpu.memref_slice %arg3[%dma_start3A_116, %dma_start3A_117] : memref<100000x128xf32, #tpu.memory_space<hbm>> -> memref<100000x128xf32, #tpu.memory_space<hbm>>
    tpu.enqueue_indirect_dma source(%dma_start3A_118 : memref<100000x128xf32, #tpu.memory_space<hbm>>) target(%dma_start3A_112 : memref<128x128xf32, #tpu.memory_space<vmem>>) offsets(%dma_start3A_115 : memref<128xi32, #tpu.memory_space<vmem>>) semaphore(%arg13 : memref<!tpu.dma_semaphore, #tpu.memory_space<semaphore_mem>>)
    %dma_start3A_119 = arith.constant 1 : i32
    %dma_start3A_120 = arith.constant 128 : i32
    %dma_start3A_121 = arith.constant 0 : i32
    %dma_start3A_122 = tpu.memref_slice %arg11[%dma_start3A_120, %dma_start3A_121] : memref<512x128xf32, #tpu.memory_space<vmem>> -> memref<128x128xf32, #tpu.memory_space<vmem>>
    %dma_start3A_123 = arith.constant 0 : i32
    %dma_start3A_124 = tpu.memref_slice %arg7[%dma_start3A_119, %dma_start3A_123] : memref<4x128xi32, #tpu.memory_space<vmem>> -> memref<1x128xi32, #tpu.memory_space<vmem>>
    %dma_start3A_125 = tpu.memref_squeeze %dma_start3A_124 : memref<1x128xi32, #tpu.memory_space<vmem>> -> memref<128xi32, #tpu.memory_space<vmem>>
    %dma_start3A_126 = arith.constant 0 : i32
    %dma_start3A_127 = arith.constant 0 : i32
    %dma_start3A_128 = tpu.memref_slice %arg3[%dma_start3A_126, %dma_start3A_127] : memref<100000x128xf32, #tpu.memory_space<hbm>> -> memref<100000x128xf32, #tpu.memory_space<hbm>>
    tpu.enqueue_indirect_dma source(%dma_start3A_128 : memref<100000x128xf32, #tpu.memory_space<hbm>>) target(%dma_start3A_122 : memref<128x128xf32, #tpu.memory_space<vmem>>) offsets(%dma_start3A_125 : memref<128xi32, #tpu.memory_space<vmem>>) semaphore(%arg13 : memref<!tpu.dma_semaphore, #tpu.memory_space<semaphore_mem>>)
    %dma_start3A_129 = arith.constant 2 : i32
    %dma_start3A_130 = arith.constant 256 : i32
    %dma_start3A_131 = arith.constant 0 : i32
    %dma_start3A_132 = tpu.memref_slice %arg11[%dma_start3A_130, %dma_start3A_131] : memref<512x128xf32, #tpu.memory_space<vmem>> -> memref<128x128xf32, #tpu.memory_space<vmem>>
    %dma_start3A_133 = arith.constant 0 : i32
    %dma_start3A_134 = tpu.memref_slice %arg7[%dma_start3A_129, %dma_start3A_133] : memref<4x128xi32, #tpu.memory_space<vmem>> -> memref<1x128xi32, #tpu.memory_space<vmem>>
    %dma_start3A_135 = tpu.memref_squeeze %dma_start3A_134 : memref<1x128xi32, #tpu.memory_space<vmem>> -> memref<128xi32, #tpu.memory_space<vmem>>
    %dma_start3A_136 = arith.constant 0 : i32
    %dma_start3A_137 = arith.constant 0 : i32
    %dma_start3A_138 = tpu.memref_slice %arg3[%dma_start3A_136, %dma_start3A_137] : memref<100000x128xf32, #tpu.memory_space<hbm>> -> memref<100000x128xf32, #tpu.memory_space<hbm>>
    tpu.enqueue_indirect_dma source(%dma_start3A_138 : memref<100000x128xf32, #tpu.memory_space<hbm>>) target(%dma_start3A_132 : memref<128x128xf32, #tpu.memory_space<vmem>>) offsets(%dma_start3A_135 : memref<128xi32, #tpu.memory_space<vmem>>) semaphore(%arg13 : memref<!tpu.dma_semaphore, #tpu.memory_space<semaphore_mem>>)
    %dma_start3A_139 = arith.constant 3 : i32
    %dma_start3A_140 = arith.constant 384 : i32
    %dma_start3A_141 = arith.constant 0 : i32
    %dma_start3A_142 = tpu.memref_slice %arg11[%dma_start3A_140, %dma_start3A_141] : memref<512x128xf32, #tpu.memory_space<vmem>> -> memref<128x128xf32, #tpu.memory_space<vmem>>
    %dma_start3A_143 = arith.constant 0 : i32
    %dma_start3A_144 = tpu.memref_slice %arg7[%dma_start3A_139, %dma_start3A_143] : memref<4x128xi32, #tpu.memory_space<vmem>> -> memref<1x128xi32, #tpu.memory_space<vmem>>
    %dma_start3A_145 = tpu.memref_squeeze %dma_start3A_144 : memref<1x128xi32, #tpu.memory_space<vmem>> -> memref<128xi32, #tpu.memory_space<vmem>>
    %dma_start3A_146 = arith.constant 0 : i32
    %dma_start3A_147 = arith.constant 0 : i32
    %dma_start3A_148 = tpu.memref_slice %arg3[%dma_start3A_146, %dma_start3A_147] : memref<100000x128xf32, #tpu.memory_space<hbm>> -> memref<100000x128xf32, #tpu.memory_space<hbm>>
    tpu.enqueue_indirect_dma source(%dma_start3A_148 : memref<100000x128xf32, #tpu.memory_space<hbm>>) target(%dma_start3A_142 : memref<128x128xf32, #tpu.memory_space<vmem>>) offsets(%dma_start3A_145 : memref<128xi32, #tpu.memory_space<vmem>>) semaphore(%arg13 : memref<!tpu.dma_semaphore, #tpu.memory_space<semaphore_mem>>)
    %dma_wait3A_149 = arith.constant 0 : i32
    %dma_wait3A_150 = tpu.memref_slice %arg2[%mul3A_7, %dma_wait3A_149] : memref<128x128xi32, #tpu.memory_space<hbm>> -> memref<8x128xi32, #tpu.memory_space<hbm>>
    %dma_wait3A_151 = arith.constant 0 : i32
    %dma_wait3A_152 = tpu.memref_slice %arg2[%mul3A_7, %dma_wait3A_151] : memref<128x128xi32, #tpu.memory_space<hbm>> -> memref<8x128xi32, #tpu.memory_space<hbm>>
    tpu.wait_dma2 semaphore(%arg15 : memref<!tpu.dma_semaphore, #tpu.memory_space<semaphore_mem>>) src(%dma_wait3A_152 : memref<8x128xi32, #tpu.memory_space<hbm>>) dst(%arg6 : memref<8x128xi32, #tpu.memory_space<vmem>>)
    %dma_start3A_153 = arith.constant 0 : i32
    %dma_start3A_154 = arith.constant 0 : i32
    %dma_start3A_155 = tpu.memref_slice %arg6[%dma_start3A_153, %dma_start3A_154] : memref<8x128xi32, #tpu.memory_space<vmem>> -> memref<1x128xi32, #tpu.memory_space<vmem>>
    %dma_start3A_156 = tpu.memref_squeeze %dma_start3A_155 : memref<1x128xi32, #tpu.memory_space<vmem>> -> memref<128xi32, #tpu.memory_space<vmem>>
    %dma_start3A_157 = arith.constant 0 : i32
    %dma_start3A_158 = tpu.memref_slice %arg12[%dma_start3A_157] : memref<102400xf32, #tpu.memory_space<vmem_shared>> -> memref<102400xf32, #tpu.memory_space<vmem_shared>>
    tpu.enqueue_indirect_dma source(%arg9 : memref<128xf32, #tpu.memory_space<vmem>>) target(%dma_start3A_158 : memref<102400xf32, #tpu.memory_space<vmem_shared>>) offsets(%dma_start3A_156 : memref<128xi32, #tpu.memory_space<vmem>>) semaphore(%arg14 : memref<!tpu.dma_semaphore, #tpu.memory_space<semaphore_mem>>)
    %dma_start3A_159 = arith.constant 1 : i32
    %dma_start3A_160 = arith.constant 0 : i32
    %dma_start3A_161 = tpu.memref_slice %arg6[%dma_start3A_159, %dma_start3A_160] : memref<8x128xi32, #tpu.memory_space<vmem>> -> memref<1x128xi32, #tpu.memory_space<vmem>>
    %dma_start3A_162 = tpu.memref_squeeze %dma_start3A_161 : memref<1x128xi32, #tpu.memory_space<vmem>> -> memref<128xi32, #tpu.memory_space<vmem>>
    %dma_start3A_163 = arith.constant 0 : i32
    %dma_start3A_164 = tpu.memref_slice %arg12[%dma_start3A_163] : memref<102400xf32, #tpu.memory_space<vmem_shared>> -> memref<102400xf32, #tpu.memory_space<vmem_shared>>
    tpu.enqueue_indirect_dma source(%arg9 : memref<128xf32, #tpu.memory_space<vmem>>) target(%dma_start3A_164 : memref<102400xf32, #tpu.memory_space<vmem_shared>>) offsets(%dma_start3A_162 : memref<128xi32, #tpu.memory_space<vmem>>) semaphore(%arg14 : memref<!tpu.dma_semaphore, #tpu.memory_space<semaphore_mem>>)
    %dma_start3A_165 = arith.constant 2 : i32
    %dma_start3A_166 = arith.constant 0 : i32
    %dma_start3A_167 = tpu.memref_slice %arg6[%dma_start3A_165, %dma_start3A_166] : memref<8x128xi32, #tpu.memory_space<vmem>> -> memref<1x128xi32, #tpu.memory_space<vmem>>
    %dma_start3A_168 = tpu.memref_squeeze %dma_start3A_167 : memref<1x128xi32, #tpu.memory_space<vmem>> -> memref<128xi32, #tpu.memory_space<vmem>>
    %dma_start3A_169 = arith.constant 0 : i32
    %dma_start3A_170 = tpu.memref_slice %arg12[%dma_start3A_169] : memref<102400xf32, #tpu.memory_space<vmem_shared>> -> memref<102400xf32, #tpu.memory_space<vmem_shared>>
    tpu.enqueue_indirect_dma source(%arg9 : memref<128xf32, #tpu.memory_space<vmem>>) target(%dma_start3A_170 : memref<102400xf32, #tpu.memory_space<vmem_shared>>) offsets(%dma_start3A_168 : memref<128xi32, #tpu.memory_space<vmem>>) semaphore(%arg14 : memref<!tpu.dma_semaphore, #tpu.memory_space<semaphore_mem>>)
    %dma_start3A_171 = arith.constant 3 : i32
    %dma_start3A_172 = arith.constant 0 : i32
    %dma_start3A_173 = tpu.memref_slice %arg6[%dma_start3A_171, %dma_start3A_172] : memref<8x128xi32, #tpu.memory_space<vmem>> -> memref<1x128xi32, #tpu.memory_space<vmem>>
    %dma_start3A_174 = tpu.memref_squeeze %dma_start3A_173 : memref<1x128xi32, #tpu.memory_space<vmem>> -> memref<128xi32, #tpu.memory_space<vmem>>
    %dma_start3A_175 = arith.constant 0 : i32
    %dma_start3A_176 = tpu.memref_slice %arg12[%dma_start3A_175] : memref<102400xf32, #tpu.memory_space<vmem_shared>> -> memref<102400xf32, #tpu.memory_space<vmem_shared>>
    tpu.enqueue_indirect_dma source(%arg9 : memref<128xf32, #tpu.memory_space<vmem>>) target(%dma_start3A_176 : memref<102400xf32, #tpu.memory_space<vmem_shared>>) offsets(%dma_start3A_174 : memref<128xi32, #tpu.memory_space<vmem>>) semaphore(%arg14 : memref<!tpu.dma_semaphore, #tpu.memory_space<semaphore_mem>>)
    %dma_start3A_177 = arith.constant 4 : i32
    %dma_start3A_178 = arith.constant 0 : i32
    %dma_start3A_179 = tpu.memref_slice %arg6[%dma_start3A_177, %dma_start3A_178] : memref<8x128xi32, #tpu.memory_space<vmem>> -> memref<1x128xi32, #tpu.memory_space<vmem>>
    %dma_start3A_180 = tpu.memref_squeeze %dma_start3A_179 : memref<1x128xi32, #tpu.memory_space<vmem>> -> memref<128xi32, #tpu.memory_space<vmem>>
    %dma_start3A_181 = arith.constant 0 : i32
    %dma_start3A_182 = tpu.memref_slice %arg12[%dma_start3A_181] : memref<102400xf32, #tpu.memory_space<vmem_shared>> -> memref<102400xf32, #tpu.memory_space<vmem_shared>>
    tpu.enqueue_indirect_dma source(%arg9 : memref<128xf32, #tpu.memory_space<vmem>>) target(%dma_start3A_182 : memref<102400xf32, #tpu.memory_space<vmem_shared>>) offsets(%dma_start3A_180 : memref<128xi32, #tpu.memory_space<vmem>>) semaphore(%arg14 : memref<!tpu.dma_semaphore, #tpu.memory_space<semaphore_mem>>)
    %dma_start3A_183 = arith.constant 5 : i32
    %dma_start3A_184 = arith.constant 0 : i32
    %dma_start3A_185 = tpu.memref_slice %arg6[%dma_start3A_183, %dma_start3A_184] : memref<8x128xi32, #tpu.memory_space<vmem>> -> memref<1x128xi32, #tpu.memory_space<vmem>>
    %dma_start3A_186 = tpu.memref_squeeze %dma_start3A_185 : memref<1x128xi32, #tpu.memory_space<vmem>> -> memref<128xi32, #tpu.memory_space<vmem>>
    %dma_start3A_187 = arith.constant 0 : i32
    %dma_start3A_188 = tpu.memref_slice %arg12[%dma_start3A_187] : memref<102400xf32, #tpu.memory_space<vmem_shared>> -> memref<102400xf32, #tpu.memory_space<vmem_shared>>
    tpu.enqueue_indirect_dma source(%arg9 : memref<128xf32, #tpu.memory_space<vmem>>) target(%dma_start3A_188 : memref<102400xf32, #tpu.memory_space<vmem_shared>>) offsets(%dma_start3A_186 : memref<128xi32, #tpu.memory_space<vmem>>) semaphore(%arg14 : memref<!tpu.dma_semaphore, #tpu.memory_space<semaphore_mem>>)
    %dma_start3A_189 = arith.constant 6 : i32
    %dma_start3A_190 = arith.constant 0 : i32
    %dma_start3A_191 = tpu.memref_slice %arg6[%dma_start3A_189, %dma_start3A_190] : memref<8x128xi32, #tpu.memory_space<vmem>> -> memref<1x128xi32, #tpu.memory_space<vmem>>
    %dma_start3A_192 = tpu.memref_squeeze %dma_start3A_191 : memref<1x128xi32, #tpu.memory_space<vmem>> -> memref<128xi32, #tpu.memory_space<vmem>>
    %dma_start3A_193 = arith.constant 0 : i32
    %dma_start3A_194 = tpu.memref_slice %arg12[%dma_start3A_193] : memref<102400xf32, #tpu.memory_space<vmem_shared>> -> memref<102400xf32, #tpu.memory_space<vmem_shared>>
    tpu.enqueue_indirect_dma source(%arg9 : memref<128xf32, #tpu.memory_space<vmem>>) target(%dma_start3A_194 : memref<102400xf32, #tpu.memory_space<vmem_shared>>) offsets(%dma_start3A_192 : memref<128xi32, #tpu.memory_space<vmem>>) semaphore(%arg14 : memref<!tpu.dma_semaphore, #tpu.memory_space<semaphore_mem>>)
    %dma_start3A_195 = arith.constant 7 : i32
    %dma_start3A_196 = arith.constant 0 : i32
    %dma_start3A_197 = tpu.memref_slice %arg6[%dma_start3A_195, %dma_start3A_196] : memref<8x128xi32, #tpu.memory_space<vmem>> -> memref<1x128xi32, #tpu.memory_space<vmem>>
    %dma_start3A_198 = tpu.memref_squeeze %dma_start3A_197 : memref<1x128xi32, #tpu.memory_space<vmem>> -> memref<128xi32, #tpu.memory_space<vmem>>
    %dma_start3A_199 = arith.constant 0 : i32
    %dma_start3A_200 = tpu.memref_slice %arg12[%dma_start3A_199] : memref<102400xf32, #tpu.memory_space<vmem_shared>> -> memref<102400xf32, #tpu.memory_space<vmem_shared>>
    tpu.enqueue_indirect_dma source(%arg9 : memref<128xf32, #tpu.memory_space<vmem>>) target(%dma_start3A_200 : memref<102400xf32, #tpu.memory_space<vmem_shared>>) offsets(%dma_start3A_198 : memref<128xi32, #tpu.memory_space<vmem>>) semaphore(%arg14 : memref<!tpu.dma_semaphore, #tpu.memory_space<semaphore_mem>>)
    %dma_wait3A_201 = arith.constant 0 : i32
    %dma_wait3A_202 = arith.constant 0 : i32
    %dma_wait3A_203 = tpu.memref_slice %arg6[%dma_wait3A_201, %dma_wait3A_202] : memref<8x128xi32, #tpu.memory_space<vmem>> -> memref<1x128xi32, #tpu.memory_space<vmem>>
    %dma_wait3A_204 = tpu.memref_squeeze %dma_wait3A_203 : memref<1x128xi32, #tpu.memory_space<vmem>> -> memref<128xi32, #tpu.memory_space<vmem>>
    %dma_wait3A_205 = arith.constant 0 : i32
    %dma_wait3A_206 = tpu.memref_slice %arg12[%dma_wait3A_205] : memref<102400xf32, #tpu.memory_space<vmem_shared>> -> memref<102400xf32, #tpu.memory_space<vmem_shared>>
    tpu.wait_indirect_dma semaphore(%arg14 : memref<!tpu.dma_semaphore, #tpu.memory_space<semaphore_mem>>) src(%arg9 : memref<128xf32, #tpu.memory_space<vmem>>) dst(%dma_wait3A_206 : memref<102400xf32, #tpu.memory_space<vmem_shared>>)
    %dma_wait3A_207 = arith.constant 1 : i32
    %dma_wait3A_208 = arith.constant 0 : i32
    %dma_wait3A_209 = tpu.memref_slice %arg6[%dma_wait3A_207, %dma_wait3A_208] : memref<8x128xi32, #tpu.memory_space<vmem>> -> memref<1x128xi32, #tpu.memory_space<vmem>>
    %dma_wait3A_210 = tpu.memref_squeeze %dma_wait3A_209 : memref<1x128xi32, #tpu.memory_space<vmem>> -> memref<128xi32, #tpu.memory_space<vmem>>
    %dma_wait3A_211 = arith.constant 0 : i32
    %dma_wait3A_212 = tpu.memref_slice %arg12[%dma_wait3A_211] : memref<102400xf32, #tpu.memory_space<vmem_shared>> -> memref<102400xf32, #tpu.memory_space<vmem_shared>>
    tpu.wait_indirect_dma semaphore(%arg14 : memref<!tpu.dma_semaphore, #tpu.memory_space<semaphore_mem>>) src(%arg9 : memref<128xf32, #tpu.memory_space<vmem>>) dst(%dma_wait3A_212 : memref<102400xf32, #tpu.memory_space<vmem_shared>>)
    %dma_wait3A_213 = arith.constant 2 : i32
    %dma_wait3A_214 = arith.constant 0 : i32
    %dma_wait3A_215 = tpu.memref_slice %arg6[%dma_wait3A_213, %dma_wait3A_214] : memref<8x128xi32, #tpu.memory_space<vmem>> -> memref<1x128xi32, #tpu.memory_space<vmem>>
    %dma_wait3A_216 = tpu.memref_squeeze %dma_wait3A_215 : memref<1x128xi32, #tpu.memory_space<vmem>> -> memref<128xi32, #tpu.memory_space<vmem>>
    %dma_wait3A_217 = arith.constant 0 : i32
    %dma_wait3A_218 = tpu.memref_slice %arg12[%dma_wait3A_217] : memref<102400xf32, #tpu.memory_space<vmem_shared>> -> memref<102400xf32, #tpu.memory_space<vmem_shared>>
    tpu.wait_indirect_dma semaphore(%arg14 : memref<!tpu.dma_semaphore, #tpu.memory_space<semaphore_mem>>) src(%arg9 : memref<128xf32, #tpu.memory_space<vmem>>) dst(%dma_wait3A_218 : memref<102400xf32, #tpu.memory_space<vmem_shared>>)
    %dma_wait3A_219 = arith.constant 3 : i32
    %dma_wait3A_220 = arith.constant 0 : i32
    %dma_wait3A_221 = tpu.memref_slice %arg6[%dma_wait3A_219, %dma_wait3A_220] : memref<8x128xi32, #tpu.memory_space<vmem>> -> memref<1x128xi32, #tpu.memory_space<vmem>>
    %dma_wait3A_222 = tpu.memref_squeeze %dma_wait3A_221 : memref<1x128xi32, #tpu.memory_space<vmem>> -> memref<128xi32, #tpu.memory_space<vmem>>
    %dma_wait3A_223 = arith.constant 0 : i32
    %dma_wait3A_224 = tpu.memref_slice %arg12[%dma_wait3A_223] : memref<102400xf32, #tpu.memory_space<vmem_shared>> -> memref<102400xf32, #tpu.memory_space<vmem_shared>>
    tpu.wait_indirect_dma semaphore(%arg14 : memref<!tpu.dma_semaphore, #tpu.memory_space<semaphore_mem>>) src(%arg9 : memref<128xf32, #tpu.memory_space<vmem>>) dst(%dma_wait3A_224 : memref<102400xf32, #tpu.memory_space<vmem_shared>>)
    %dma_wait3A_225 = arith.constant 4 : i32
    %dma_wait3A_226 = arith.constant 0 : i32
    %dma_wait3A_227 = tpu.memref_slice %arg6[%dma_wait3A_225, %dma_wait3A_226] : memref<8x128xi32, #tpu.memory_space<vmem>> -> memref<1x128xi32, #tpu.memory_space<vmem>>
    %dma_wait3A_228 = tpu.memref_squeeze %dma_wait3A_227 : memref<1x128xi32, #tpu.memory_space<vmem>> -> memref<128xi32, #tpu.memory_space<vmem>>
    %dma_wait3A_229 = arith.constant 0 : i32
    %dma_wait3A_230 = tpu.memref_slice %arg12[%dma_wait3A_229] : memref<102400xf32, #tpu.memory_space<vmem_shared>> -> memref<102400xf32, #tpu.memory_space<vmem_shared>>
    tpu.wait_indirect_dma semaphore(%arg14 : memref<!tpu.dma_semaphore, #tpu.memory_space<semaphore_mem>>) src(%arg9 : memref<128xf32, #tpu.memory_space<vmem>>) dst(%dma_wait3A_230 : memref<102400xf32, #tpu.memory_space<vmem_shared>>)
    %dma_wait3A_231 = arith.constant 5 : i32
    %dma_wait3A_232 = arith.constant 0 : i32
    %dma_wait3A_233 = tpu.memref_slice %arg6[%dma_wait3A_231, %dma_wait3A_232] : memref<8x128xi32, #tpu.memory_space<vmem>> -> memref<1x128xi32, #tpu.memory_space<vmem>>
    %dma_wait3A_234 = tpu.memref_squeeze %dma_wait3A_233 : memref<1x128xi32, #tpu.memory_space<vmem>> -> memref<128xi32, #tpu.memory_space<vmem>>
    %dma_wait3A_235 = arith.constant 0 : i32
    %dma_wait3A_236 = tpu.memref_slice %arg12[%dma_wait3A_235] : memref<102400xf32, #tpu.memory_space<vmem_shared>> -> memref<102400xf32, #tpu.memory_space<vmem_shared>>
    tpu.wait_indirect_dma semaphore(%arg14 : memref<!tpu.dma_semaphore, #tpu.memory_space<semaphore_mem>>) src(%arg9 : memref<128xf32, #tpu.memory_space<vmem>>) dst(%dma_wait3A_236 : memref<102400xf32, #tpu.memory_space<vmem_shared>>)
    %dma_wait3A_237 = arith.constant 6 : i32
    %dma_wait3A_238 = arith.constant 0 : i32
    %dma_wait3A_239 = tpu.memref_slice %arg6[%dma_wait3A_237, %dma_wait3A_238] : memref<8x128xi32, #tpu.memory_space<vmem>> -> memref<1x128xi32, #tpu.memory_space<vmem>>
    %dma_wait3A_240 = tpu.memref_squeeze %dma_wait3A_239 : memref<1x128xi32, #tpu.memory_space<vmem>> -> memref<128xi32, #tpu.memory_space<vmem>>
    %dma_wait3A_241 = arith.constant 0 : i32
    %dma_wait3A_242 = tpu.memref_slice %arg12[%dma_wait3A_241] : memref<102400xf32, #tpu.memory_space<vmem_shared>> -> memref<102400xf32, #tpu.memory_space<vmem_shared>>
    tpu.wait_indirect_dma semaphore(%arg14 : memref<!tpu.dma_semaphore, #tpu.memory_space<semaphore_mem>>) src(%arg9 : memref<128xf32, #tpu.memory_space<vmem>>) dst(%dma_wait3A_242 : memref<102400xf32, #tpu.memory_space<vmem_shared>>)
    %dma_wait3A_243 = arith.constant 7 : i32
    %dma_wait3A_244 = arith.constant 0 : i32
    %dma_wait3A_245 = tpu.memref_slice %arg6[%dma_wait3A_243, %dma_wait3A_244] : memref<8x128xi32, #tpu.memory_space<vmem>> -> memref<1x128xi32, #tpu.memory_space<vmem>>
    %dma_wait3A_246 = tpu.memref_squeeze %dma_wait3A_245 : memref<1x128xi32, #tpu.memory_space<vmem>> -> memref<128xi32, #tpu.memory_space<vmem>>
    %dma_wait3A_247 = arith.constant 0 : i32
    %dma_wait3A_248 = tpu.memref_slice %arg12[%dma_wait3A_247] : memref<102400xf32, #tpu.memory_space<vmem_shared>> -> memref<102400xf32, #tpu.memory_space<vmem_shared>>
    tpu.wait_indirect_dma semaphore(%arg14 : memref<!tpu.dma_semaphore, #tpu.memory_space<semaphore_mem>>) src(%arg9 : memref<128xf32, #tpu.memory_space<vmem>>) dst(%dma_wait3A_248 : memref<102400xf32, #tpu.memory_space<vmem_shared>>)
    %barrier3A = arith.constant 0 : index
    tpu.barrier barrier_id(%barrier3A)
    %dma_start3A_249 = arith.constant 0 : i32
    %dma_start3A_250 = arith.constant 0 : i32
    %dma_start3A_251 = tpu.memref_slice %arg6[%dma_start3A_249, %dma_start3A_250] : memref<8x128xi32, #tpu.memory_space<vmem>> -> memref<1x128xi32, #tpu.memory_space<vmem>>
    %dma_start3A_252 = tpu.memref_squeeze %dma_start3A_251 : memref<1x128xi32, #tpu.memory_space<vmem>> -> memref<128xi32, #tpu.memory_space<vmem>>
    %dma_start3A_253 = arith.constant 0 : i32
    %dma_start3A_254 = tpu.memref_slice %arg12[%dma_start3A_253] : memref<102400xf32, #tpu.memory_space<vmem_shared>> -> memref<102400xf32, #tpu.memory_space<vmem_shared>>
    tpu.enqueue_indirect_dma source(%arg8 : memref<128xf32, #tpu.memory_space<vmem>>) target(%dma_start3A_254 : memref<102400xf32, #tpu.memory_space<vmem_shared>>) offsets(%dma_start3A_252 : memref<128xi32, #tpu.memory_space<vmem>>) semaphore(%arg14 : memref<!tpu.dma_semaphore, #tpu.memory_space<semaphore_mem>>) {add = true}
    %dma_start3A_255 = arith.constant 1 : i32
    %dma_start3A_256 = arith.constant 0 : i32
    %dma_start3A_257 = tpu.memref_slice %arg6[%dma_start3A_255, %dma_start3A_256] : memref<8x128xi32, #tpu.memory_space<vmem>> -> memref<1x128xi32, #tpu.memory_space<vmem>>
    %dma_start3A_258 = tpu.memref_squeeze %dma_start3A_257 : memref<1x128xi32, #tpu.memory_space<vmem>> -> memref<128xi32, #tpu.memory_space<vmem>>
    %dma_start3A_259 = arith.constant 0 : i32
    %dma_start3A_260 = tpu.memref_slice %arg12[%dma_start3A_259] : memref<102400xf32, #tpu.memory_space<vmem_shared>> -> memref<102400xf32, #tpu.memory_space<vmem_shared>>
    tpu.enqueue_indirect_dma source(%arg8 : memref<128xf32, #tpu.memory_space<vmem>>) target(%dma_start3A_260 : memref<102400xf32, #tpu.memory_space<vmem_shared>>) offsets(%dma_start3A_258 : memref<128xi32, #tpu.memory_space<vmem>>) semaphore(%arg14 : memref<!tpu.dma_semaphore, #tpu.memory_space<semaphore_mem>>) {add = true}
    %dma_start3A_261 = arith.constant 2 : i32
    %dma_start3A_262 = arith.constant 0 : i32
    %dma_start3A_263 = tpu.memref_slice %arg6[%dma_start3A_261, %dma_start3A_262] : memref<8x128xi32, #tpu.memory_space<vmem>> -> memref<1x128xi32, #tpu.memory_space<vmem>>
    %dma_start3A_264 = tpu.memref_squeeze %dma_start3A_263 : memref<1x128xi32, #tpu.memory_space<vmem>> -> memref<128xi32, #tpu.memory_space<vmem>>
    %dma_start3A_265 = arith.constant 0 : i32
    %dma_start3A_266 = tpu.memref_slice %arg12[%dma_start3A_265] : memref<102400xf32, #tpu.memory_space<vmem_shared>> -> memref<102400xf32, #tpu.memory_space<vmem_shared>>
    tpu.enqueue_indirect_dma source(%arg8 : memref<128xf32, #tpu.memory_space<vmem>>) target(%dma_start3A_266 : memref<102400xf32, #tpu.memory_space<vmem_shared>>) offsets(%dma_start3A_264 : memref<128xi32, #tpu.memory_space<vmem>>) semaphore(%arg14 : memref<!tpu.dma_semaphore, #tpu.memory_space<semaphore_mem>>) {add = true}
    %dma_start3A_267 = arith.constant 3 : i32
    %dma_start3A_268 = arith.constant 0 : i32
    %dma_start3A_269 = tpu.memref_slice %arg6[%dma_start3A_267, %dma_start3A_268] : memref<8x128xi32, #tpu.memory_space<vmem>> -> memref<1x128xi32, #tpu.memory_space<vmem>>
    %dma_start3A_270 = tpu.memref_squeeze %dma_start3A_269 : memref<1x128xi32, #tpu.memory_space<vmem>> -> memref<128xi32, #tpu.memory_space<vmem>>
    %dma_start3A_271 = arith.constant 0 : i32
    %dma_start3A_272 = tpu.memref_slice %arg12[%dma_start3A_271] : memref<102400xf32, #tpu.memory_space<vmem_shared>> -> memref<102400xf32, #tpu.memory_space<vmem_shared>>
    tpu.enqueue_indirect_dma source(%arg8 : memref<128xf32, #tpu.memory_space<vmem>>) target(%dma_start3A_272 : memref<102400xf32, #tpu.memory_space<vmem_shared>>) offsets(%dma_start3A_270 : memref<128xi32, #tpu.memory_space<vmem>>) semaphore(%arg14 : memref<!tpu.dma_semaphore, #tpu.memory_space<semaphore_mem>>) {add = true}
    %dma_start3A_273 = arith.constant 4 : i32
    %dma_start3A_274 = arith.constant 0 : i32
    %dma_start3A_275 = tpu.memref_slice %arg6[%dma_start3A_273, %dma_start3A_274] : memref<8x128xi32, #tpu.memory_space<vmem>> -> memref<1x128xi32, #tpu.memory_space<vmem>>
    %dma_start3A_276 = tpu.memref_squeeze %dma_start3A_275 : memref<1x128xi32, #tpu.memory_space<vmem>> -> memref<128xi32, #tpu.memory_space<vmem>>
    %dma_start3A_277 = arith.constant 0 : i32
    %dma_start3A_278 = tpu.memref_slice %arg12[%dma_start3A_277] : memref<102400xf32, #tpu.memory_space<vmem_shared>> -> memref<102400xf32, #tpu.memory_space<vmem_shared>>
    tpu.enqueue_indirect_dma source(%arg8 : memref<128xf32, #tpu.memory_space<vmem>>) target(%dma_start3A_278 : memref<102400xf32, #tpu.memory_space<vmem_shared>>) offsets(%dma_start3A_276 : memref<128xi32, #tpu.memory_space<vmem>>) semaphore(%arg14 : memref<!tpu.dma_semaphore, #tpu.memory_space<semaphore_mem>>) {add = true}
    %dma_start3A_279 = arith.constant 5 : i32
    %dma_start3A_280 = arith.constant 0 : i32
    %dma_start3A_281 = tpu.memref_slice %arg6[%dma_start3A_279, %dma_start3A_280] : memref<8x128xi32, #tpu.memory_space<vmem>> -> memref<1x128xi32, #tpu.memory_space<vmem>>
    %dma_start3A_282 = tpu.memref_squeeze %dma_start3A_281 : memref<1x128xi32, #tpu.memory_space<vmem>> -> memref<128xi32, #tpu.memory_space<vmem>>
    %dma_start3A_283 = arith.constant 0 : i32
    %dma_start3A_284 = tpu.memref_slice %arg12[%dma_start3A_283] : memref<102400xf32, #tpu.memory_space<vmem_shared>> -> memref<102400xf32, #tpu.memory_space<vmem_shared>>
    tpu.enqueue_indirect_dma source(%arg8 : memref<128xf32, #tpu.memory_space<vmem>>) target(%dma_start3A_284 : memref<102400xf32, #tpu.memory_space<vmem_shared>>) offsets(%dma_start3A_282 : memref<128xi32, #tpu.memory_space<vmem>>) semaphore(%arg14 : memref<!tpu.dma_semaphore, #tpu.memory_space<semaphore_mem>>) {add = true}
    %dma_start3A_285 = arith.constant 6 : i32
    %dma_start3A_286 = arith.constant 0 : i32
    %dma_start3A_287 = tpu.memref_slice %arg6[%dma_start3A_285, %dma_start3A_286] : memref<8x128xi32, #tpu.memory_space<vmem>> -> memref<1x128xi32, #tpu.memory_space<vmem>>
    %dma_start3A_288 = tpu.memref_squeeze %dma_start3A_287 : memref<1x128xi32, #tpu.memory_space<vmem>> -> memref<128xi32, #tpu.memory_space<vmem>>
    %dma_start3A_289 = arith.constant 0 : i32
    %dma_start3A_290 = tpu.memref_slice %arg12[%dma_start3A_289] : memref<102400xf32, #tpu.memory_space<vmem_shared>> -> memref<102400xf32, #tpu.memory_space<vmem_shared>>
    tpu.enqueue_indirect_dma source(%arg8 : memref<128xf32, #tpu.memory_space<vmem>>) target(%dma_start3A_290 : memref<102400xf32, #tpu.memory_space<vmem_shared>>) offsets(%dma_start3A_288 : memref<128xi32, #tpu.memory_space<vmem>>) semaphore(%arg14 : memref<!tpu.dma_semaphore, #tpu.memory_space<semaphore_mem>>) {add = true}
    %dma_start3A_291 = arith.constant 7 : i32
    %dma_start3A_292 = arith.constant 0 : i32
    %dma_start3A_293 = tpu.memref_slice %arg6[%dma_start3A_291, %dma_start3A_292] : memref<8x128xi32, #tpu.memory_space<vmem>> -> memref<1x128xi32, #tpu.memory_space<vmem>>
    %dma_start3A_294 = tpu.memref_squeeze %dma_start3A_293 : memref<1x128xi32, #tpu.memory_space<vmem>> -> memref<128xi32, #tpu.memory_space<vmem>>
    %dma_start3A_295 = arith.constant 0 : i32
    %dma_start3A_296 = tpu.memref_slice %arg12[%dma_start3A_295] : memref<102400xf32, #tpu.memory_space<vmem_shared>> -> memref<102400xf32, #tpu.memory_space<vmem_shared>>
    tpu.enqueue_indirect_dma source(%arg8 : memref<128xf32, #tpu.memory_space<vmem>>) target(%dma_start3A_296 : memref<102400xf32, #tpu.memory_space<vmem_shared>>) offsets(%dma_start3A_294 : memref<128xi32, #tpu.memory_space<vmem>>) semaphore(%arg14 : memref<!tpu.dma_semaphore, #tpu.memory_space<semaphore_mem>>) {add = true}
    %dma_wait3A_297 = arith.constant 0 : i32
    %dma_wait3A_298 = arith.constant 0 : i32
    %dma_wait3A_299 = tpu.memref_slice %arg6[%dma_wait3A_297, %dma_wait3A_298] : memref<8x128xi32, #tpu.memory_space<vmem>> -> memref<1x128xi32, #tpu.memory_space<vmem>>
    %dma_wait3A_300 = tpu.memref_squeeze %dma_wait3A_299 : memref<1x128xi32, #tpu.memory_space<vmem>> -> memref<128xi32, #tpu.memory_space<vmem>>
    %dma_wait3A_301 = arith.constant 0 : i32
    %dma_wait3A_302 = tpu.memref_slice %arg12[%dma_wait3A_301] : memref<102400xf32, #tpu.memory_space<vmem_shared>> -> memref<102400xf32, #tpu.memory_space<vmem_shared>>
    tpu.wait_indirect_dma semaphore(%arg14 : memref<!tpu.dma_semaphore, #tpu.memory_space<semaphore_mem>>) src(%arg8 : memref<128xf32, #tpu.memory_space<vmem>>) dst(%dma_wait3A_302 : memref<102400xf32, #tpu.memory_space<vmem_shared>>)
    %dma_wait3A_303 = arith.constant 1 : i32
    %dma_wait3A_304 = arith.constant 0 : i32
    %dma_wait3A_305 = tpu.memref_slice %arg6[%dma_wait3A_303, %dma_wait3A_304] : memref<8x128xi32, #tpu.memory_space<vmem>> -> memref<1x128xi32, #tpu.memory_space<vmem>>
    %dma_wait3A_306 = tpu.memref_squeeze %dma_wait3A_305 : memref<1x128xi32, #tpu.memory_space<vmem>> -> memref<128xi32, #tpu.memory_space<vmem>>
    %dma_wait3A_307 = arith.constant 0 : i32
    %dma_wait3A_308 = tpu.memref_slice %arg12[%dma_wait3A_307] : memref<102400xf32, #tpu.memory_space<vmem_shared>> -> memref<102400xf32, #tpu.memory_space<vmem_shared>>
    tpu.wait_indirect_dma semaphore(%arg14 : memref<!tpu.dma_semaphore, #tpu.memory_space<semaphore_mem>>) src(%arg8 : memref<128xf32, #tpu.memory_space<vmem>>) dst(%dma_wait3A_308 : memref<102400xf32, #tpu.memory_space<vmem_shared>>)
    %dma_wait3A_309 = arith.constant 2 : i32
    %dma_wait3A_310 = arith.constant 0 : i32
    %dma_wait3A_311 = tpu.memref_slice %arg6[%dma_wait3A_309, %dma_wait3A_310] : memref<8x128xi32, #tpu.memory_space<vmem>> -> memref<1x128xi32, #tpu.memory_space<vmem>>
    %dma_wait3A_312 = tpu.memref_squeeze %dma_wait3A_311 : memref<1x128xi32, #tpu.memory_space<vmem>> -> memref<128xi32, #tpu.memory_space<vmem>>
    %dma_wait3A_313 = arith.constant 0 : i32
    %dma_wait3A_314 = tpu.memref_slice %arg12[%dma_wait3A_313] : memref<102400xf32, #tpu.memory_space<vmem_shared>> -> memref<102400xf32, #tpu.memory_space<vmem_shared>>
    tpu.wait_indirect_dma semaphore(%arg14 : memref<!tpu.dma_semaphore, #tpu.memory_space<semaphore_mem>>) src(%arg8 : memref<128xf32, #tpu.memory_space<vmem>>) dst(%dma_wait3A_314 : memref<102400xf32, #tpu.memory_space<vmem_shared>>)
    %dma_wait3A_315 = arith.constant 3 : i32
    %dma_wait3A_316 = arith.constant 0 : i32
    %dma_wait3A_317 = tpu.memref_slice %arg6[%dma_wait3A_315, %dma_wait3A_316] : memref<8x128xi32, #tpu.memory_space<vmem>> -> memref<1x128xi32, #tpu.memory_space<vmem>>
    %dma_wait3A_318 = tpu.memref_squeeze %dma_wait3A_317 : memref<1x128xi32, #tpu.memory_space<vmem>> -> memref<128xi32, #tpu.memory_space<vmem>>
    %dma_wait3A_319 = arith.constant 0 : i32
    %dma_wait3A_320 = tpu.memref_slice %arg12[%dma_wait3A_319] : memref<102400xf32, #tpu.memory_space<vmem_shared>> -> memref<102400xf32, #tpu.memory_space<vmem_shared>>
    tpu.wait_indirect_dma semaphore(%arg14 : memref<!tpu.dma_semaphore, #tpu.memory_space<semaphore_mem>>) src(%arg8 : memref<128xf32, #tpu.memory_space<vmem>>) dst(%dma_wait3A_320 : memref<102400xf32, #tpu.memory_space<vmem_shared>>)
    %dma_wait3A_321 = arith.constant 4 : i32
    %dma_wait3A_322 = arith.constant 0 : i32
    %dma_wait3A_323 = tpu.memref_slice %arg6[%dma_wait3A_321, %dma_wait3A_322] : memref<8x128xi32, #tpu.memory_space<vmem>> -> memref<1x128xi32, #tpu.memory_space<vmem>>
    %dma_wait3A_324 = tpu.memref_squeeze %dma_wait3A_323 : memref<1x128xi32, #tpu.memory_space<vmem>> -> memref<128xi32, #tpu.memory_space<vmem>>
    %dma_wait3A_325 = arith.constant 0 : i32
    %dma_wait3A_326 = tpu.memref_slice %arg12[%dma_wait3A_325] : memref<102400xf32, #tpu.memory_space<vmem_shared>> -> memref<102400xf32, #tpu.memory_space<vmem_shared>>
    tpu.wait_indirect_dma semaphore(%arg14 : memref<!tpu.dma_semaphore, #tpu.memory_space<semaphore_mem>>) src(%arg8 : memref<128xf32, #tpu.memory_space<vmem>>) dst(%dma_wait3A_326 : memref<102400xf32, #tpu.memory_space<vmem_shared>>)
    %dma_wait3A_327 = arith.constant 5 : i32
    %dma_wait3A_328 = arith.constant 0 : i32
    %dma_wait3A_329 = tpu.memref_slice %arg6[%dma_wait3A_327, %dma_wait3A_328] : memref<8x128xi32, #tpu.memory_space<vmem>> -> memref<1x128xi32, #tpu.memory_space<vmem>>
    %dma_wait3A_330 = tpu.memref_squeeze %dma_wait3A_329 : memref<1x128xi32, #tpu.memory_space<vmem>> -> memref<128xi32, #tpu.memory_space<vmem>>
    %dma_wait3A_331 = arith.constant 0 : i32
    %dma_wait3A_332 = tpu.memref_slice %arg12[%dma_wait3A_331] : memref<102400xf32, #tpu.memory_space<vmem_shared>> -> memref<102400xf32, #tpu.memory_space<vmem_shared>>
    tpu.wait_indirect_dma semaphore(%arg14 : memref<!tpu.dma_semaphore, #tpu.memory_space<semaphore_mem>>) src(%arg8 : memref<128xf32, #tpu.memory_space<vmem>>) dst(%dma_wait3A_332 : memref<102400xf32, #tpu.memory_space<vmem_shared>>)
    %dma_wait3A_333 = arith.constant 6 : i32
    %dma_wait3A_334 = arith.constant 0 : i32
    %dma_wait3A_335 = tpu.memref_slice %arg6[%dma_wait3A_333, %dma_wait3A_334] : memref<8x128xi32, #tpu.memory_space<vmem>> -> memref<1x128xi32, #tpu.memory_space<vmem>>
    %dma_wait3A_336 = tpu.memref_squeeze %dma_wait3A_335 : memref<1x128xi32, #tpu.memory_space<vmem>> -> memref<128xi32, #tpu.memory_space<vmem>>
    %dma_wait3A_337 = arith.constant 0 : i32
    %dma_wait3A_338 = tpu.memref_slice %arg12[%dma_wait3A_337] : memref<102400xf32, #tpu.memory_space<vmem_shared>> -> memref<102400xf32, #tpu.memory_space<vmem_shared>>
    tpu.wait_indirect_dma semaphore(%arg14 : memref<!tpu.dma_semaphore, #tpu.memory_space<semaphore_mem>>) src(%arg8 : memref<128xf32, #tpu.memory_space<vmem>>) dst(%dma_wait3A_338 : memref<102400xf32, #tpu.memory_space<vmem_shared>>)
    %dma_wait3A_339 = arith.constant 7 : i32
    %dma_wait3A_340 = arith.constant 0 : i32
    %dma_wait3A_341 = tpu.memref_slice %arg6[%dma_wait3A_339, %dma_wait3A_340] : memref<8x128xi32, #tpu.memory_space<vmem>> -> memref<1x128xi32, #tpu.memory_space<vmem>>
    %dma_wait3A_342 = tpu.memref_squeeze %dma_wait3A_341 : memref<1x128xi32, #tpu.memory_space<vmem>> -> memref<128xi32, #tpu.memory_space<vmem>>
    %dma_wait3A_343 = arith.constant 0 : i32
    %dma_wait3A_344 = tpu.memref_slice %arg12[%dma_wait3A_343] : memref<102400xf32, #tpu.memory_space<vmem_shared>> -> memref<102400xf32, #tpu.memory_space<vmem_shared>>
    tpu.wait_indirect_dma semaphore(%arg14 : memref<!tpu.dma_semaphore, #tpu.memory_space<semaphore_mem>>) src(%arg8 : memref<128xf32, #tpu.memory_space<vmem>>) dst(%dma_wait3A_344 : memref<102400xf32, #tpu.memory_space<vmem_shared>>)
    %barrier3A_345 = arith.constant 0 : index
    tpu.barrier barrier_id(%barrier3A_345)
    %dma_start3A_346 = arith.constant 0 : i32
    %dma_start3A_347 = arith.constant 0 : i32
    %dma_start3A_348 = arith.constant 0 : i32
    %dma_start3A_349 = tpu.memref_slice %arg10[%dma_start3A_347, %dma_start3A_348] : memref<4x128xf32, #tpu.memory_space<vmem>> -> memref<1x128xf32, #tpu.memory_space<vmem>>
    %dma_start3A_350 = tpu.memref_squeeze %dma_start3A_349 : memref<1x128xf32, #tpu.memory_space<vmem>> -> memref<128xf32, #tpu.memory_space<vmem>>
    %dma_start3A_351 = arith.constant 0 : i32
    %dma_start3A_352 = tpu.memref_slice %arg7[%dma_start3A_346, %dma_start3A_351] : memref<4x128xi32, #tpu.memory_space<vmem>> -> memref<1x128xi32, #tpu.memory_space<vmem>>
    %dma_start3A_353 = tpu.memref_squeeze %dma_start3A_352 : memref<1x128xi32, #tpu.memory_space<vmem>> -> memref<128xi32, #tpu.memory_space<vmem>>
    %dma_start3A_354 = arith.constant 0 : i32
    %dma_start3A_355 = tpu.memref_slice %arg12[%dma_start3A_354] : memref<102400xf32, #tpu.memory_space<vmem_shared>> -> memref<102400xf32, #tpu.memory_space<vmem_shared>>
    tpu.enqueue_indirect_dma source(%dma_start3A_355 : memref<102400xf32, #tpu.memory_space<vmem_shared>>) target(%dma_start3A_350 : memref<128xf32, #tpu.memory_space<vmem>>) offsets(%dma_start3A_353 : memref<128xi32, #tpu.memory_space<vmem>>) semaphore(%arg15 : memref<!tpu.dma_semaphore, #tpu.memory_space<semaphore_mem>>)
    %dma_start3A_356 = arith.constant 1 : i32
    %dma_start3A_357 = arith.constant 1 : i32
    %dma_start3A_358 = arith.constant 0 : i32
    %dma_start3A_359 = tpu.memref_slice %arg10[%dma_start3A_357, %dma_start3A_358] : memref<4x128xf32, #tpu.memory_space<vmem>> -> memref<1x128xf32, #tpu.memory_space<vmem>>
    %dma_start3A_360 = tpu.memref_squeeze %dma_start3A_359 : memref<1x128xf32, #tpu.memory_space<vmem>> -> memref<128xf32, #tpu.memory_space<vmem>>
    %dma_start3A_361 = arith.constant 0 : i32
    %dma_start3A_362 = tpu.memref_slice %arg7[%dma_start3A_356, %dma_start3A_361] : memref<4x128xi32, #tpu.memory_space<vmem>> -> memref<1x128xi32, #tpu.memory_space<vmem>>
    %dma_start3A_363 = tpu.memref_squeeze %dma_start3A_362 : memref<1x128xi32, #tpu.memory_space<vmem>> -> memref<128xi32, #tpu.memory_space<vmem>>
    %dma_start3A_364 = arith.constant 0 : i32
    %dma_start3A_365 = tpu.memref_slice %arg12[%dma_start3A_364] : memref<102400xf32, #tpu.memory_space<vmem_shared>> -> memref<102400xf32, #tpu.memory_space<vmem_shared>>
    tpu.enqueue_indirect_dma source(%dma_start3A_365 : memref<102400xf32, #tpu.memory_space<vmem_shared>>) target(%dma_start3A_360 : memref<128xf32, #tpu.memory_space<vmem>>) offsets(%dma_start3A_363 : memref<128xi32, #tpu.memory_space<vmem>>) semaphore(%arg15 : memref<!tpu.dma_semaphore, #tpu.memory_space<semaphore_mem>>)
    %dma_start3A_366 = arith.constant 2 : i32
    %dma_start3A_367 = arith.constant 2 : i32
    %dma_start3A_368 = arith.constant 0 : i32
    %dma_start3A_369 = tpu.memref_slice %arg10[%dma_start3A_367, %dma_start3A_368] : memref<4x128xf32, #tpu.memory_space<vmem>> -> memref<1x128xf32, #tpu.memory_space<vmem>>
    %dma_start3A_370 = tpu.memref_squeeze %dma_start3A_369 : memref<1x128xf32, #tpu.memory_space<vmem>> -> memref<128xf32, #tpu.memory_space<vmem>>
    %dma_start3A_371 = arith.constant 0 : i32
    %dma_start3A_372 = tpu.memref_slice %arg7[%dma_start3A_366, %dma_start3A_371] : memref<4x128xi32, #tpu.memory_space<vmem>> -> memref<1x128xi32, #tpu.memory_space<vmem>>
    %dma_start3A_373 = tpu.memref_squeeze %dma_start3A_372 : memref<1x128xi32, #tpu.memory_space<vmem>> -> memref<128xi32, #tpu.memory_space<vmem>>
    %dma_start3A_374 = arith.constant 0 : i32
    %dma_start3A_375 = tpu.memref_slice %arg12[%dma_start3A_374] : memref<102400xf32, #tpu.memory_space<vmem_shared>> -> memref<102400xf32, #tpu.memory_space<vmem_shared>>
    tpu.enqueue_indirect_dma source(%dma_start3A_375 : memref<102400xf32, #tpu.memory_space<vmem_shared>>) target(%dma_start3A_370 : memref<128xf32, #tpu.memory_space<vmem>>) offsets(%dma_start3A_373 : memref<128xi32, #tpu.memory_space<vmem>>) semaphore(%arg15 : memref<!tpu.dma_semaphore, #tpu.memory_space<semaphore_mem>>)
    %dma_start3A_376 = arith.constant 3 : i32
    %dma_start3A_377 = arith.constant 3 : i32
    %dma_start3A_378 = arith.constant 0 : i32
    %dma_start3A_379 = tpu.memref_slice %arg10[%dma_start3A_377, %dma_start3A_378] : memref<4x128xf32, #tpu.memory_space<vmem>> -> memref<1x128xf32, #tpu.memory_space<vmem>>
    %dma_start3A_380 = tpu.memref_squeeze %dma_start3A_379 : memref<1x128xf32, #tpu.memory_space<vmem>> -> memref<128xf32, #tpu.memory_space<vmem>>
    %dma_start3A_381 = arith.constant 0 : i32
    %dma_start3A_382 = tpu.memref_slice %arg7[%dma_start3A_376, %dma_start3A_381] : memref<4x128xi32, #tpu.memory_space<vmem>> -> memref<1x128xi32, #tpu.memory_space<vmem>>
    %dma_start3A_383 = tpu.memref_squeeze %dma_start3A_382 : memref<1x128xi32, #tpu.memory_space<vmem>> -> memref<128xi32, #tpu.memory_space<vmem>>
    %dma_start3A_384 = arith.constant 0 : i32
    %dma_start3A_385 = tpu.memref_slice %arg12[%dma_start3A_384] : memref<102400xf32, #tpu.memory_space<vmem_shared>> -> memref<102400xf32, #tpu.memory_space<vmem_shared>>
    tpu.enqueue_indirect_dma source(%dma_start3A_385 : memref<102400xf32, #tpu.memory_space<vmem_shared>>) target(%dma_start3A_380 : memref<128xf32, #tpu.memory_space<vmem>>) offsets(%dma_start3A_383 : memref<128xi32, #tpu.memory_space<vmem>>) semaphore(%arg15 : memref<!tpu.dma_semaphore, #tpu.memory_space<semaphore_mem>>)
    %dma_wait3A_386 = arith.constant 0 : i32
    %dma_wait3A_387 = arith.constant 0 : i32
    %dma_wait3A_388 = arith.constant 0 : i32
    %dma_wait3A_389 = tpu.memref_slice %arg11[%dma_wait3A_387, %dma_wait3A_388] : memref<512x128xf32, #tpu.memory_space<vmem>> -> memref<128x128xf32, #tpu.memory_space<vmem>>
    %dma_wait3A_390 = arith.constant 0 : i32
    %dma_wait3A_391 = tpu.memref_slice %arg7[%dma_wait3A_386, %dma_wait3A_390] : memref<4x128xi32, #tpu.memory_space<vmem>> -> memref<1x128xi32, #tpu.memory_space<vmem>>
    %dma_wait3A_392 = tpu.memref_squeeze %dma_wait3A_391 : memref<1x128xi32, #tpu.memory_space<vmem>> -> memref<128xi32, #tpu.memory_space<vmem>>
    %dma_wait3A_393 = arith.constant 0 : i32
    %dma_wait3A_394 = arith.constant 0 : i32
    %dma_wait3A_395 = tpu.memref_slice %arg3[%dma_wait3A_393, %dma_wait3A_394] : memref<100000x128xf32, #tpu.memory_space<hbm>> -> memref<100000x128xf32, #tpu.memory_space<hbm>>
    tpu.wait_indirect_dma semaphore(%arg13 : memref<!tpu.dma_semaphore, #tpu.memory_space<semaphore_mem>>) src(%dma_wait3A_395 : memref<100000x128xf32, #tpu.memory_space<hbm>>) dst(%dma_wait3A_389 : memref<128x128xf32, #tpu.memory_space<vmem>>)
    %mul3A_396 = arith.constant 512 : i32
    %mul3A_397 = arith.muli %add3A, %mul3A_396 : i32
    %add3A_398 = arith.constant 0 : i32
    %add3A_399 = arith.addi %mul3A_397, %add3A_398 : i32
    %dma_start3A_400 = arith.constant 0 : i32
    %dma_start3A_401 = arith.constant 0 : i32
    %dma_start3A_402 = tpu.memref_slice %arg11[%dma_start3A_400, %dma_start3A_401] : memref<512x128xf32, #tpu.memory_space<vmem>> -> memref<128x128xf32, #tpu.memory_space<vmem>>
    %dma_start3A_403 = arith.constant 0 : i32
    %dma_start3A_404 = tpu.memref_slice %arg4[%add3A_399, %dma_start3A_403] : memref<16384x128xf32, #tpu.memory_space<hbm>> -> memref<128x128xf32, #tpu.memory_space<hbm>>
    %dma_start3A_405 = arith.constant 0 : i32
    %dma_start3A_406 = tpu.memref_slice %arg4[%add3A_399, %dma_start3A_405] : memref<16384x128xf32, #tpu.memory_space<hbm>> -> memref<128x128xf32, #tpu.memory_space<hbm>>
    %dma_start3A_407 = arith.constant 0 : i32
    %dma_start3A_408 = arith.constant 0 : i32
    %dma_start3A_409 = tpu.memref_slice %arg11[%dma_start3A_407, %dma_start3A_408] : memref<512x128xf32, #tpu.memory_space<vmem>> -> memref<128x128xf32, #tpu.memory_space<vmem>>
    tpu.enqueue_dma source(%dma_start3A_409 : memref<128x128xf32, #tpu.memory_space<vmem>>) target(%dma_start3A_406 : memref<128x128xf32, #tpu.memory_space<hbm>>) target_semaphore(%arg16 : memref<!tpu.dma_semaphore, #tpu.memory_space<semaphore_mem>>)
    %dma_wait3A_410 = arith.constant 1 : i32
    %dma_wait3A_411 = arith.constant 128 : i32
    %dma_wait3A_412 = arith.constant 0 : i32
    %dma_wait3A_413 = tpu.memref_slice %arg11[%dma_wait3A_411, %dma_wait3A_412] : memref<512x128xf32, #tpu.memory_space<vmem>> -> memref<128x128xf32, #tpu.memory_space<vmem>>
    %dma_wait3A_414 = arith.constant 0 : i32
    %dma_wait3A_415 = tpu.memref_slice %arg7[%dma_wait3A_410, %dma_wait3A_414] : memref<4x128xi32, #tpu.memory_space<vmem>> -> memref<1x128xi32, #tpu.memory_space<vmem>>
    %dma_wait3A_416 = tpu.memref_squeeze %dma_wait3A_415 : memref<1x128xi32, #tpu.memory_space<vmem>> -> memref<128xi32, #tpu.memory_space<vmem>>
    %dma_wait3A_417 = arith.constant 0 : i32
    %dma_wait3A_418 = arith.constant 0 : i32
    %dma_wait3A_419 = tpu.memref_slice %arg3[%dma_wait3A_417, %dma_wait3A_418] : memref<100000x128xf32, #tpu.memory_space<hbm>> -> memref<100000x128xf32, #tpu.memory_space<hbm>>
    tpu.wait_indirect_dma semaphore(%arg13 : memref<!tpu.dma_semaphore, #tpu.memory_space<semaphore_mem>>) src(%dma_wait3A_419 : memref<100000x128xf32, #tpu.memory_space<hbm>>) dst(%dma_wait3A_413 : memref<128x128xf32, #tpu.memory_space<vmem>>)
    %mul3A_420 = arith.constant 512 : i32
    %mul3A_421 = arith.muli %add3A, %mul3A_420 : i32
    %add3A_422 = arith.constant 128 : i32
    %add3A_423 = arith.addi %mul3A_421, %add3A_422 : i32
    %dma_start3A_424 = arith.constant 128 : i32
    %dma_start3A_425 = arith.constant 0 : i32
    %dma_start3A_426 = tpu.memref_slice %arg11[%dma_start3A_424, %dma_start3A_425] : memref<512x128xf32, #tpu.memory_space<vmem>> -> memref<128x128xf32, #tpu.memory_space<vmem>>
    %dma_start3A_427 = arith.constant 0 : i32
    %dma_start3A_428 = tpu.memref_slice %arg4[%add3A_423, %dma_start3A_427] : memref<16384x128xf32, #tpu.memory_space<hbm>> -> memref<128x128xf32, #tpu.memory_space<hbm>>
    %dma_start3A_429 = arith.constant 0 : i32
    %dma_start3A_430 = tpu.memref_slice %arg4[%add3A_423, %dma_start3A_429] : memref<16384x128xf32, #tpu.memory_space<hbm>> -> memref<128x128xf32, #tpu.memory_space<hbm>>
    %dma_start3A_431 = arith.constant 128 : i32
    %dma_start3A_432 = arith.constant 0 : i32
    %dma_start3A_433 = tpu.memref_slice %arg11[%dma_start3A_431, %dma_start3A_432] : memref<512x128xf32, #tpu.memory_space<vmem>> -> memref<128x128xf32, #tpu.memory_space<vmem>>
    tpu.enqueue_dma source(%dma_start3A_433 : memref<128x128xf32, #tpu.memory_space<vmem>>) target(%dma_start3A_430 : memref<128x128xf32, #tpu.memory_space<hbm>>) target_semaphore(%arg16 : memref<!tpu.dma_semaphore, #tpu.memory_space<semaphore_mem>>)
    %dma_wait3A_434 = arith.constant 2 : i32
    %dma_wait3A_435 = arith.constant 256 : i32
    %dma_wait3A_436 = arith.constant 0 : i32
    %dma_wait3A_437 = tpu.memref_slice %arg11[%dma_wait3A_435, %dma_wait3A_436] : memref<512x128xf32, #tpu.memory_space<vmem>> -> memref<128x128xf32, #tpu.memory_space<vmem>>
    %dma_wait3A_438 = arith.constant 0 : i32
    %dma_wait3A_439 = tpu.memref_slice %arg7[%dma_wait3A_434, %dma_wait3A_438] : memref<4x128xi32, #tpu.memory_space<vmem>> -> memref<1x128xi32, #tpu.memory_space<vmem>>
    %dma_wait3A_440 = tpu.memref_squeeze %dma_wait3A_439 : memref<1x128xi32, #tpu.memory_space<vmem>> -> memref<128xi32, #tpu.memory_space<vmem>>
    %dma_wait3A_441 = arith.constant 0 : i32
    %dma_wait3A_442 = arith.constant 0 : i32
    %dma_wait3A_443 = tpu.memref_slice %arg3[%dma_wait3A_441, %dma_wait3A_442] : memref<100000x128xf32, #tpu.memory_space<hbm>> -> memref<100000x128xf32, #tpu.memory_space<hbm>>
    tpu.wait_indirect_dma semaphore(%arg13 : memref<!tpu.dma_semaphore, #tpu.memory_space<semaphore_mem>>) src(%dma_wait3A_443 : memref<100000x128xf32, #tpu.memory_space<hbm>>) dst(%dma_wait3A_437 : memref<128x128xf32, #tpu.memory_space<vmem>>)
    %mul3A_444 = arith.constant 512 : i32
    %mul3A_445 = arith.muli %add3A, %mul3A_444 : i32
    %add3A_446 = arith.constant 256 : i32
    %add3A_447 = arith.addi %mul3A_445, %add3A_446 : i32
    %dma_start3A_448 = arith.constant 256 : i32
    %dma_start3A_449 = arith.constant 0 : i32
    %dma_start3A_450 = tpu.memref_slice %arg11[%dma_start3A_448, %dma_start3A_449] : memref<512x128xf32, #tpu.memory_space<vmem>> -> memref<128x128xf32, #tpu.memory_space<vmem>>
    %dma_start3A_451 = arith.constant 0 : i32
    %dma_start3A_452 = tpu.memref_slice %arg4[%add3A_447, %dma_start3A_451] : memref<16384x128xf32, #tpu.memory_space<hbm>> -> memref<128x128xf32, #tpu.memory_space<hbm>>
    %dma_start3A_453 = arith.constant 0 : i32
    %dma_start3A_454 = tpu.memref_slice %arg4[%add3A_447, %dma_start3A_453] : memref<16384x128xf32, #tpu.memory_space<hbm>> -> memref<128x128xf32, #tpu.memory_space<hbm>>
    %dma_start3A_455 = arith.constant 256 : i32
    %dma_start3A_456 = arith.constant 0 : i32
    %dma_start3A_457 = tpu.memref_slice %arg11[%dma_start3A_455, %dma_start3A_456] : memref<512x128xf32, #tpu.memory_space<vmem>> -> memref<128x128xf32, #tpu.memory_space<vmem>>
    tpu.enqueue_dma source(%dma_start3A_457 : memref<128x128xf32, #tpu.memory_space<vmem>>) target(%dma_start3A_454 : memref<128x128xf32, #tpu.memory_space<hbm>>) target_semaphore(%arg16 : memref<!tpu.dma_semaphore, #tpu.memory_space<semaphore_mem>>)
    %dma_wait3A_458 = arith.constant 3 : i32
    %dma_wait3A_459 = arith.constant 384 : i32
    %dma_wait3A_460 = arith.constant 0 : i32
    %dma_wait3A_461 = tpu.memref_slice %arg11[%dma_wait3A_459, %dma_wait3A_460] : memref<512x128xf32, #tpu.memory_space<vmem>> -> memref<128x128xf32, #tpu.memory_space<vmem>>
    %dma_wait3A_462 = arith.constant 0 : i32
    %dma_wait3A_463 = tpu.memref_slice %arg7[%dma_wait3A_458, %dma_wait3A_462] : memref<4x128xi32, #tpu.memory_space<vmem>> -> memref<1x128xi32, #tpu.memory_space<vmem>>
    %dma_wait3A_464 = tpu.memref_squeeze %dma_wait3A_463 : memref<1x128xi32, #tpu.memory_space<vmem>> -> memref<128xi32, #tpu.memory_space<vmem>>
    %dma_wait3A_465 = arith.constant 0 : i32
    %dma_wait3A_466 = arith.constant 0 : i32
    %dma_wait3A_467 = tpu.memref_slice %arg3[%dma_wait3A_465, %dma_wait3A_466] : memref<100000x128xf32, #tpu.memory_space<hbm>> -> memref<100000x128xf32, #tpu.memory_space<hbm>>
    tpu.wait_indirect_dma semaphore(%arg13 : memref<!tpu.dma_semaphore, #tpu.memory_space<semaphore_mem>>) src(%dma_wait3A_467 : memref<100000x128xf32, #tpu.memory_space<hbm>>) dst(%dma_wait3A_461 : memref<128x128xf32, #tpu.memory_space<vmem>>)
    %mul3A_468 = arith.constant 512 : i32
    %mul3A_469 = arith.muli %add3A, %mul3A_468 : i32
    %add3A_470 = arith.constant 384 : i32
    %add3A_471 = arith.addi %mul3A_469, %add3A_470 : i32
    %dma_start3A_472 = arith.constant 384 : i32
    %dma_start3A_473 = arith.constant 0 : i32
    %dma_start3A_474 = tpu.memref_slice %arg11[%dma_start3A_472, %dma_start3A_473] : memref<512x128xf32, #tpu.memory_space<vmem>> -> memref<128x128xf32, #tpu.memory_space<vmem>>
    %dma_start3A_475 = arith.constant 0 : i32
    %dma_start3A_476 = tpu.memref_slice %arg4[%add3A_471, %dma_start3A_475] : memref<16384x128xf32, #tpu.memory_space<hbm>> -> memref<128x128xf32, #tpu.memory_space<hbm>>
    %dma_start3A_477 = arith.constant 0 : i32
    %dma_start3A_478 = tpu.memref_slice %arg4[%add3A_471, %dma_start3A_477] : memref<16384x128xf32, #tpu.memory_space<hbm>> -> memref<128x128xf32, #tpu.memory_space<hbm>>
    %dma_start3A_479 = arith.constant 384 : i32
    %dma_start3A_480 = arith.constant 0 : i32
    %dma_start3A_481 = tpu.memref_slice %arg11[%dma_start3A_479, %dma_start3A_480] : memref<512x128xf32, #tpu.memory_space<vmem>> -> memref<128x128xf32, #tpu.memory_space<vmem>>
    tpu.enqueue_dma source(%dma_start3A_481 : memref<128x128xf32, #tpu.memory_space<vmem>>) target(%dma_start3A_478 : memref<128x128xf32, #tpu.memory_space<hbm>>) target_semaphore(%arg16 : memref<!tpu.dma_semaphore, #tpu.memory_space<semaphore_mem>>)
    %dma_wait3A_482 = arith.constant 0 : i32
    %dma_wait3A_483 = arith.constant 0 : i32
    %dma_wait3A_484 = arith.constant 0 : i32
    %dma_wait3A_485 = tpu.memref_slice %arg10[%dma_wait3A_483, %dma_wait3A_484] : memref<4x128xf32, #tpu.memory_space<vmem>> -> memref<1x128xf32, #tpu.memory_space<vmem>>
    %dma_wait3A_486 = tpu.memref_squeeze %dma_wait3A_485 : memref<1x128xf32, #tpu.memory_space<vmem>> -> memref<128xf32, #tpu.memory_space<vmem>>
    %dma_wait3A_487 = arith.constant 0 : i32
    %dma_wait3A_488 = tpu.memref_slice %arg7[%dma_wait3A_482, %dma_wait3A_487] : memref<4x128xi32, #tpu.memory_space<vmem>> -> memref<1x128xi32, #tpu.memory_space<vmem>>
    %dma_wait3A_489 = tpu.memref_squeeze %dma_wait3A_488 : memref<1x128xi32, #tpu.memory_space<vmem>> -> memref<128xi32, #tpu.memory_space<vmem>>
    %dma_wait3A_490 = arith.constant 0 : i32
    %dma_wait3A_491 = tpu.memref_slice %arg12[%dma_wait3A_490] : memref<102400xf32, #tpu.memory_space<vmem_shared>> -> memref<102400xf32, #tpu.memory_space<vmem_shared>>
    tpu.wait_indirect_dma semaphore(%arg15 : memref<!tpu.dma_semaphore, #tpu.memory_space<semaphore_mem>>) src(%dma_wait3A_491 : memref<102400xf32, #tpu.memory_space<vmem_shared>>) dst(%dma_wait3A_486 : memref<128xf32, #tpu.memory_space<vmem>>)
    %dma_wait3A_492 = arith.constant 1 : i32
    %dma_wait3A_493 = arith.constant 1 : i32
    %dma_wait3A_494 = arith.constant 0 : i32
    %dma_wait3A_495 = tpu.memref_slice %arg10[%dma_wait3A_493, %dma_wait3A_494] : memref<4x128xf32, #tpu.memory_space<vmem>> -> memref<1x128xf32, #tpu.memory_space<vmem>>
    %dma_wait3A_496 = tpu.memref_squeeze %dma_wait3A_495 : memref<1x128xf32, #tpu.memory_space<vmem>> -> memref<128xf32, #tpu.memory_space<vmem>>
    %dma_wait3A_497 = arith.constant 0 : i32
    %dma_wait3A_498 = tpu.memref_slice %arg7[%dma_wait3A_492, %dma_wait3A_497] : memref<4x128xi32, #tpu.memory_space<vmem>> -> memref<1x128xi32, #tpu.memory_space<vmem>>
    %dma_wait3A_499 = tpu.memref_squeeze %dma_wait3A_498 : memref<1x128xi32, #tpu.memory_space<vmem>> -> memref<128xi32, #tpu.memory_space<vmem>>
    %dma_wait3A_500 = arith.constant 0 : i32
    %dma_wait3A_501 = tpu.memref_slice %arg12[%dma_wait3A_500] : memref<102400xf32, #tpu.memory_space<vmem_shared>> -> memref<102400xf32, #tpu.memory_space<vmem_shared>>
    tpu.wait_indirect_dma semaphore(%arg15 : memref<!tpu.dma_semaphore, #tpu.memory_space<semaphore_mem>>) src(%dma_wait3A_501 : memref<102400xf32, #tpu.memory_space<vmem_shared>>) dst(%dma_wait3A_496 : memref<128xf32, #tpu.memory_space<vmem>>)
    %dma_wait3A_502 = arith.constant 2 : i32
    %dma_wait3A_503 = arith.constant 2 : i32
    %dma_wait3A_504 = arith.constant 0 : i32
    %dma_wait3A_505 = tpu.memref_slice %arg10[%dma_wait3A_503, %dma_wait3A_504] : memref<4x128xf32, #tpu.memory_space<vmem>> -> memref<1x128xf32, #tpu.memory_space<vmem>>
    %dma_wait3A_506 = tpu.memref_squeeze %dma_wait3A_505 : memref<1x128xf32, #tpu.memory_space<vmem>> -> memref<128xf32, #tpu.memory_space<vmem>>
    %dma_wait3A_507 = arith.constant 0 : i32
    %dma_wait3A_508 = tpu.memref_slice %arg7[%dma_wait3A_502, %dma_wait3A_507] : memref<4x128xi32, #tpu.memory_space<vmem>> -> memref<1x128xi32, #tpu.memory_space<vmem>>
    %dma_wait3A_509 = tpu.memref_squeeze %dma_wait3A_508 : memref<1x128xi32, #tpu.memory_space<vmem>> -> memref<128xi32, #tpu.memory_space<vmem>>
    %dma_wait3A_510 = arith.constant 0 : i32
    %dma_wait3A_511 = tpu.memref_slice %arg12[%dma_wait3A_510] : memref<102400xf32, #tpu.memory_space<vmem_shared>> -> memref<102400xf32, #tpu.memory_space<vmem_shared>>
    tpu.wait_indirect_dma semaphore(%arg15 : memref<!tpu.dma_semaphore, #tpu.memory_space<semaphore_mem>>) src(%dma_wait3A_511 : memref<102400xf32, #tpu.memory_space<vmem_shared>>) dst(%dma_wait3A_506 : memref<128xf32, #tpu.memory_space<vmem>>)
    %dma_wait3A_512 = arith.constant 3 : i32
    %dma_wait3A_513 = arith.constant 3 : i32
    %dma_wait3A_514 = arith.constant 0 : i32
    %dma_wait3A_515 = tpu.memref_slice %arg10[%dma_wait3A_513, %dma_wait3A_514] : memref<4x128xf32, #tpu.memory_space<vmem>> -> memref<1x128xf32, #tpu.memory_space<vmem>>
    %dma_wait3A_516 = tpu.memref_squeeze %dma_wait3A_515 : memref<1x128xf32, #tpu.memory_space<vmem>> -> memref<128xf32, #tpu.memory_space<vmem>>
    %dma_wait3A_517 = arith.constant 0 : i32
    %dma_wait3A_518 = tpu.memref_slice %arg7[%dma_wait3A_512, %dma_wait3A_517] : memref<4x128xi32, #tpu.memory_space<vmem>> -> memref<1x128xi32, #tpu.memory_space<vmem>>
    %dma_wait3A_519 = tpu.memref_squeeze %dma_wait3A_518 : memref<1x128xi32, #tpu.memory_space<vmem>> -> memref<128xi32, #tpu.memory_space<vmem>>
    %dma_wait3A_520 = arith.constant 0 : i32
    %dma_wait3A_521 = tpu.memref_slice %arg12[%dma_wait3A_520] : memref<102400xf32, #tpu.memory_space<vmem_shared>> -> memref<102400xf32, #tpu.memory_space<vmem_shared>>
    tpu.wait_indirect_dma semaphore(%arg15 : memref<!tpu.dma_semaphore, #tpu.memory_space<semaphore_mem>>) src(%dma_wait3A_521 : memref<102400xf32, #tpu.memory_space<vmem_shared>>) dst(%dma_wait3A_516 : memref<128xf32, #tpu.memory_space<vmem>>)
    %mul3A_522 = arith.constant 4 : i32
    %mul3A_523 = arith.muli %add3A, %mul3A_522 : i32
    "tpu.region"() ({
      %run_scoped3A = tpu.sem_alloc : memref<!tpu.dma_semaphore, #tpu.memory_space<semaphore_mem>>
      %dma_start3A_564 = arith.constant 0 : i32
      %dma_start3A_565 = tpu.memref_slice %arg5[%mul3A_523, %dma_start3A_564] : memref<128x128xf32, #tpu.memory_space<hbm>> -> memref<4x128xf32, #tpu.memory_space<hbm>>
      %dma_start3A_566 = arith.constant 0 : i32
      %dma_start3A_567 = tpu.memref_slice %arg5[%mul3A_523, %dma_start3A_566] : memref<128x128xf32, #tpu.memory_space<hbm>> -> memref<4x128xf32, #tpu.memory_space<hbm>>
      tpu.enqueue_dma source(%arg10 : memref<4x128xf32, #tpu.memory_space<vmem>>) target(%dma_start3A_567 : memref<4x128xf32, #tpu.memory_space<hbm>>) target_semaphore(%run_scoped3A : memref<!tpu.dma_semaphore, #tpu.memory_space<semaphore_mem>>)
      %dma_wait3A_568 = arith.constant 0 : i32
      %dma_wait3A_569 = tpu.memref_slice %arg5[%mul3A_523, %dma_wait3A_568] : memref<128x128xf32, #tpu.memory_space<hbm>> -> memref<4x128xf32, #tpu.memory_space<hbm>>
      %dma_wait3A_570 = arith.constant 0 : i32
      %dma_wait3A_571 = tpu.memref_slice %arg5[%mul3A_523, %dma_wait3A_570] : memref<128x128xf32, #tpu.memory_space<hbm>> -> memref<4x128xf32, #tpu.memory_space<hbm>>
      tpu.wait_dma2 semaphore(%run_scoped3A : memref<!tpu.dma_semaphore, #tpu.memory_space<semaphore_mem>>) src(%arg10 : memref<4x128xf32, #tpu.memory_space<vmem>>) dst(%dma_wait3A_571 : memref<4x128xf32, #tpu.memory_space<hbm>>)
      tpu.yield
    }) : () -> ()
    %dma_wait3A_524 = arith.constant 0 : i32
    %dma_wait3A_525 = arith.constant 0 : i32
    %dma_wait3A_526 = tpu.memref_slice %arg11[%dma_wait3A_524, %dma_wait3A_525] : memref<512x128xf32, #tpu.memory_space<vmem>> -> memref<128x128xf32, #tpu.memory_space<vmem>>
    %dma_wait3A_527 = arith.constant 0 : i32
    %dma_wait3A_528 = tpu.memref_slice %arg4[%add3A_399, %dma_wait3A_527] : memref<16384x128xf32, #tpu.memory_space<hbm>> -> memref<128x128xf32, #tpu.memory_space<hbm>>
    %dma_wait3A_529 = arith.constant 0 : i32
    %dma_wait3A_530 = tpu.memref_slice %arg4[%add3A_399, %dma_wait3A_529] : memref<16384x128xf32, #tpu.memory_space<hbm>> -> memref<128x128xf32, #tpu.memory_space<hbm>>
    %dma_wait3A_531 = arith.constant 0 : i32
    %dma_wait3A_532 = arith.constant 0 : i32
    %dma_wait3A_533 = tpu.memref_slice %arg11[%dma_wait3A_531, %dma_wait3A_532] : memref<512x128xf32, #tpu.memory_space<vmem>> -> memref<128x128xf32, #tpu.memory_space<vmem>>
    tpu.wait_dma2 semaphore(%arg16 : memref<!tpu.dma_semaphore, #tpu.memory_space<semaphore_mem>>) src(%dma_wait3A_533 : memref<128x128xf32, #tpu.memory_space<vmem>>) dst(%dma_wait3A_530 : memref<128x128xf32, #tpu.memory_space<hbm>>)
    %dma_wait3A_534 = arith.constant 128 : i32
    %dma_wait3A_535 = arith.constant 0 : i32
    %dma_wait3A_536 = tpu.memref_slice %arg11[%dma_wait3A_534, %dma_wait3A_535] : memref<512x128xf32, #tpu.memory_space<vmem>> -> memref<128x128xf32, #tpu.memory_space<vmem>>
    %dma_wait3A_537 = arith.constant 0 : i32
    %dma_wait3A_538 = tpu.memref_slice %arg4[%add3A_423, %dma_wait3A_537] : memref<16384x128xf32, #tpu.memory_space<hbm>> -> memref<128x128xf32, #tpu.memory_space<hbm>>
    %dma_wait3A_539 = arith.constant 0 : i32
    %dma_wait3A_540 = tpu.memref_slice %arg4[%add3A_423, %dma_wait3A_539] : memref<16384x128xf32, #tpu.memory_space<hbm>> -> memref<128x128xf32, #tpu.memory_space<hbm>>
    %dma_wait3A_541 = arith.constant 128 : i32
    %dma_wait3A_542 = arith.constant 0 : i32
    %dma_wait3A_543 = tpu.memref_slice %arg11[%dma_wait3A_541, %dma_wait3A_542] : memref<512x128xf32, #tpu.memory_space<vmem>> -> memref<128x128xf32, #tpu.memory_space<vmem>>
    tpu.wait_dma2 semaphore(%arg16 : memref<!tpu.dma_semaphore, #tpu.memory_space<semaphore_mem>>) src(%dma_wait3A_543 : memref<128x128xf32, #tpu.memory_space<vmem>>) dst(%dma_wait3A_540 : memref<128x128xf32, #tpu.memory_space<hbm>>)
    %dma_wait3A_544 = arith.constant 256 : i32
    %dma_wait3A_545 = arith.constant 0 : i32
    %dma_wait3A_546 = tpu.memref_slice %arg11[%dma_wait3A_544, %dma_wait3A_545] : memref<512x128xf32, #tpu.memory_space<vmem>> -> memref<128x128xf32, #tpu.memory_space<vmem>>
    %dma_wait3A_547 = arith.constant 0 : i32
    %dma_wait3A_548 = tpu.memref_slice %arg4[%add3A_447, %dma_wait3A_547] : memref<16384x128xf32, #tpu.memory_space<hbm>> -> memref<128x128xf32, #tpu.memory_space<hbm>>
    %dma_wait3A_549 = arith.constant 0 : i32
    %dma_wait3A_550 = tpu.memref_slice %arg4[%add3A_447, %dma_wait3A_549] : memref<16384x128xf32, #tpu.memory_space<hbm>> -> memref<128x128xf32, #tpu.memory_space<hbm>>
    %dma_wait3A_551 = arith.constant 256 : i32
    %dma_wait3A_552 = arith.constant 0 : i32
    %dma_wait3A_553 = tpu.memref_slice %arg11[%dma_wait3A_551, %dma_wait3A_552] : memref<512x128xf32, #tpu.memory_space<vmem>> -> memref<128x128xf32, #tpu.memory_space<vmem>>
    tpu.wait_dma2 semaphore(%arg16 : memref<!tpu.dma_semaphore, #tpu.memory_space<semaphore_mem>>) src(%dma_wait3A_553 : memref<128x128xf32, #tpu.memory_space<vmem>>) dst(%dma_wait3A_550 : memref<128x128xf32, #tpu.memory_space<hbm>>)
    %dma_wait3A_554 = arith.constant 384 : i32
    %dma_wait3A_555 = arith.constant 0 : i32
    %dma_wait3A_556 = tpu.memref_slice %arg11[%dma_wait3A_554, %dma_wait3A_555] : memref<512x128xf32, #tpu.memory_space<vmem>> -> memref<128x128xf32, #tpu.memory_space<vmem>>
    %dma_wait3A_557 = arith.constant 0 : i32
    %dma_wait3A_558 = tpu.memref_slice %arg4[%add3A_471, %dma_wait3A_557] : memref<16384x128xf32, #tpu.memory_space<hbm>> -> memref<128x128xf32, #tpu.memory_space<hbm>>
    %dma_wait3A_559 = arith.constant 0 : i32
    %dma_wait3A_560 = tpu.memref_slice %arg4[%add3A_471, %dma_wait3A_559] : memref<16384x128xf32, #tpu.memory_space<hbm>> -> memref<128x128xf32, #tpu.memory_space<hbm>>
    %dma_wait3A_561 = arith.constant 384 : i32
    %dma_wait3A_562 = arith.constant 0 : i32
    %dma_wait3A_563 = tpu.memref_slice %arg11[%dma_wait3A_561, %dma_wait3A_562] : memref<512x128xf32, #tpu.memory_space<vmem>> -> memref<128x128xf32, #tpu.memory_space<vmem>>
    tpu.wait_dma2 semaphore(%arg16 : memref<!tpu.dma_semaphore, #tpu.memory_space<semaphore_mem>>) src(%dma_wait3A_563 : memref<128x128xf32, #tpu.memory_space<vmem>>) dst(%dma_wait3A_560 : memref<128x128xf32, #tpu.memory_space<hbm>>)
    return
  }
}

module attributes {stable_mosaic.version = 14 : i64} {
  func.func @_tc_body(%arg0: i32, %arg1: memref<4096x128xf32, #tpu.memory_space<vmem>>, %arg2: memref<4096x128xf32, #tpu.memory_space<vmem>>, %arg3: memref<32x128xf32, #tpu.memory_space<vmem>>, %arg4: memref<1x1xf32, #tpu.memory_space<vmem>>, %arg5: memref<1x128xf32, #tpu.memory_space<vmem>>, %arg6: memref<1x128xf32, #tpu.memory_space<vmem>>, %arg7: memref<1x128xf32, #tpu.memory_space<vmem>>, %arg8: memref<1x128xf32, #tpu.memory_space<vmem>>, %arg9: memref<1x128xf32, #tpu.memory_space<vmem>>) attributes {dimension_semantics = [#tpu.dimension_semantics<arbitrary>], iteration_bounds = array<i64: 4>, scalar_prefetch = 0 : i64, scratch_operands = 5 : i64, tpu.core_type = #tpu.core_type<tc>, window_params = [{transform_indices = @transform_0, window_bounds = array<i64: 4096, 128>}, {transform_indices = @transform_1, window_bounds = array<i64: 4096, 128>}, {transform_indices = @transform_2, window_bounds = array<i64: 32, 128>}, {pipeline_mode = #tpu.pipeline_mode<synchronous>, transform_indices = @transform_3, window_bounds = array<i64: 1, 1>}]} {
    %eq3A = arith.constant 0 : i32
    %eq3A_0 = arith.cmpi eq, %arg0, %eq3A : i32
    %convert_element_type3A = arith.extui %eq3A_0 : i1 to i32
    %cond3A = arith.constant 0 : i32
    %cond3A_1 = arith.cmpi ne, %convert_element_type3A, %cond3A : i32
    scf.if %cond3A_1 {
      %broadcast_in_dim3A_511 = arith.constant 0.000000e+00 : f32
      %broadcast_in_dim3A_512 = vector.broadcast %broadcast_in_dim3A_511 : f32 to vector<1x128xf32>
      %swap3A_513 = arith.constant 0 : index
      %swap3A_514 = arith.constant 0 : index
      %swap3A_515 = vector.load %arg5[%swap3A_513, %swap3A_514] : memref<1x128xf32, #tpu.memory_space<vmem>>, vector<1x128xf32>
      tpu.vector_store %arg5[%swap3A_513, %swap3A_514], %broadcast_in_dim3A_512 {strides = array<i32>} : memref<1x128xf32, #tpu.memory_space<vmem>>, vector<1x128xf32>,
      %broadcast_in_dim3A_516 = arith.constant 0.000000e+00 : f32
      %broadcast_in_dim3A_517 = vector.broadcast %broadcast_in_dim3A_516 : f32 to vector<1x128xf32>
      %swap3A_518 = arith.constant 0 : index
      %swap3A_519 = arith.constant 0 : index
      %swap3A_520 = vector.load %arg6[%swap3A_518, %swap3A_519] : memref<1x128xf32, #tpu.memory_space<vmem>>, vector<1x128xf32>
      tpu.vector_store %arg6[%swap3A_518, %swap3A_519], %broadcast_in_dim3A_517 {strides = array<i32>} : memref<1x128xf32, #tpu.memory_space<vmem>>, vector<1x128xf32>,
      %broadcast_in_dim3A_521 = arith.constant 0.000000e+00 : f32
      %broadcast_in_dim3A_522 = vector.broadcast %broadcast_in_dim3A_521 : f32 to vector<1x128xf32>
      %swap3A_523 = arith.constant 0 : index
      %swap3A_524 = arith.constant 0 : index
      %swap3A_525 = vector.load %arg7[%swap3A_523, %swap3A_524] : memref<1x128xf32, #tpu.memory_space<vmem>>, vector<1x128xf32>
      tpu.vector_store %arg7[%swap3A_523, %swap3A_524], %broadcast_in_dim3A_522 {strides = array<i32>} : memref<1x128xf32, #tpu.memory_space<vmem>>, vector<1x128xf32>,
      %broadcast_in_dim3A_526 = arith.constant 0.000000e+00 : f32
      %broadcast_in_dim3A_527 = vector.broadcast %broadcast_in_dim3A_526 : f32 to vector<1x128xf32>
      %swap3A_528 = arith.constant 0 : index
      %swap3A_529 = arith.constant 0 : index
      %swap3A_530 = vector.load %arg8[%swap3A_528, %swap3A_529] : memref<1x128xf32, #tpu.memory_space<vmem>>, vector<1x128xf32>
      tpu.vector_store %arg8[%swap3A_528, %swap3A_529], %broadcast_in_dim3A_527 {strides = array<i32>} : memref<1x128xf32, #tpu.memory_space<vmem>>, vector<1x128xf32>,
      %broadcast_in_dim3A_531 = arith.constant 0.000000e+00 : f32
      %broadcast_in_dim3A_532 = vector.broadcast %broadcast_in_dim3A_531 : f32 to vector<1x128xf32>
      %swap3A_533 = arith.constant 0 : index
      %swap3A_534 = arith.constant 0 : index
      %swap3A_535 = vector.load %arg9[%swap3A_533, %swap3A_534] : memref<1x128xf32, #tpu.memory_space<vmem>>, vector<1x128xf32>
      tpu.vector_store %arg9[%swap3A_533, %swap3A_534], %broadcast_in_dim3A_532 {strides = array<i32>} : memref<1x128xf32, #tpu.memory_space<vmem>>, vector<1x128xf32>,
    } else {
    }
    %get3A = arith.constant 0 : index
    %get3A_2 = arith.constant 0 : index
    %get3A_3 = vector.load %arg1[%get3A, %get3A_2] : memref<4096x128xf32, #tpu.memory_space<vmem>>, vector<4096x128xf32>
    %get3A_4 = arith.constant 0 : index
    %get3A_5 = arith.constant 0 : index
    %get3A_6 = vector.load %arg2[%get3A_4, %get3A_5] : memref<4096x128xf32, #tpu.memory_space<vmem>>, vector<4096x128xf32>
    %get3A_7 = arith.constant 0 : index
    %get3A_8 = arith.constant 0 : index
    %get3A_9 = vector.load %arg3[%get3A_7, %get3A_8] : memref<32x128xf32, #tpu.memory_space<vmem>>, vector<32x128xf32>
    %add3A = arith.constant 1.000000e+00 : f32
    %add3A_10 = vector.broadcast %add3A : f32 to vector<32x128xf32>
    %add3A_11 = arith.addf %get3A_9, %add3A_10 : vector<32x128xf32>
    %div3A = arith.constant 1.000000e+00 : f32
    %div3A_12 = vector.broadcast %div3A : f32 to vector<32x128xf32>
    %div3A_13 = arith.divf %div3A_12, %add3A_11 : vector<32x128xf32>
    %mul3A = arith.mulf %get3A_3, %get3A_3 : vector<4096x128xf32>
    %mul3A_14 = arith.mulf %get3A_6, %get3A_6 : vector<4096x128xf32>
    %mul3A_15 = arith.mulf %get3A_3, %get3A_6 : vector<4096x128xf32>
    %broadcast_in_dim3A = arith.constant 0.000000e+00 : f32
    %broadcast_in_dim3A_16 = vector.broadcast %broadcast_in_dim3A : f32 to vector<2x128xf32>
    %broadcast_in_dim3A_17 = arith.constant 0.000000e+00 : f32
    %broadcast_in_dim3A_18 = vector.broadcast %broadcast_in_dim3A_17 : f32 to vector<2x128xf32>
    %broadcast_in_dim3A_19 = arith.constant 0.000000e+00 : f32
    %broadcast_in_dim3A_20 = vector.broadcast %broadcast_in_dim3A_19 : f32 to vector<1x128xf32>
    %broadcast_in_dim3A_21 = arith.constant 1.000000e+00 : f32
    %broadcast_in_dim3A_22 = vector.broadcast %broadcast_in_dim3A_21 : f32 to vector<1x128xf32>
    %slice3A = vector.extract_strided_slice %div3A_13 {offsets = [0, 0], sizes = [1, 128], strides = [1, 1]} : vector<32x128xf32> to vector<1x128xf32>
    %concatenate3A = tpu.concatenate %broadcast_in_dim3A_22, %slice3A in 0 : vector<1x128xf32>, vector<1x128xf32> -> vector<2x128xf32>
    %slice3A_23 = vector.extract_strided_slice %mul3A {offsets = [0, 0], sizes = [128, 128], strides = [1, 1]} : vector<4096x128xf32> to vector<128x128xf32>
    %dot_general3A = arith.constant dense<0.000000e+00> : vector<2x128xf32>
    %dot_general3A_24 = tpu.matmul %concatenate3A, %slice3A_23, %dot_general3A {dimension_numbers = #tpu.dot_dimension_numbers<[1], [0], [0], [1], [0, 0, 1, 1], [], []>, transpose_lhs_hint = false} : vector<2x128xf32>, vector<128x128xf32>, vector<2x128xf32> -> vector<2x128xf32>
    %add3A_25 = arith.addf %broadcast_in_dim3A_16, %dot_general3A_24 : vector<2x128xf32>
    %slice3A_26 = vector.extract_strided_slice %mul3A_14 {offsets = [0, 0], sizes = [128, 128], strides = [1, 1]} : vector<4096x128xf32> to vector<128x128xf32>
    %dot_general3A_27 = arith.constant dense<0.000000e+00> : vector<2x128xf32>
    %dot_general3A_28 = tpu.matmul %concatenate3A, %slice3A_26, %dot_general3A_27 {dimension_numbers = #tpu.dot_dimension_numbers<[1], [0], [0], [1], [0, 0, 1, 1], [], []>, transpose_lhs_hint = false} : vector<2x128xf32>, vector<128x128xf32>, vector<2x128xf32> -> vector<2x128xf32>
    %add3A_29 = arith.addf %broadcast_in_dim3A_18, %dot_general3A_28 : vector<2x128xf32>
    %slice3A_30 = vector.extract_strided_slice %mul3A_15 {offsets = [0, 0], sizes = [128, 128], strides = [1, 1]} : vector<4096x128xf32> to vector<128x128xf32>
    %dot_general3A_31 = arith.constant dense<0.000000e+00> : vector<1x128xf32>
    %dot_general3A_32 = tpu.matmul %slice3A, %slice3A_30, %dot_general3A_31 {dimension_numbers = #tpu.dot_dimension_numbers<[1], [0], [0], [1], [0, 0, 1, 1], [], []>, transpose_lhs_hint = false} : vector<1x128xf32>, vector<128x128xf32>, vector<1x128xf32> -> vector<1x128xf32>
    %add3A_33 = arith.addf %broadcast_in_dim3A_20, %dot_general3A_32 : vector<1x128xf32>
    %slice3A_34 = vector.extract_strided_slice %div3A_13 {offsets = [1, 0], sizes = [1, 128], strides = [1, 1]} : vector<32x128xf32> to vector<1x128xf32>
    %concatenate3A_35 = tpu.concatenate %broadcast_in_dim3A_22, %slice3A_34 in 0 : vector<1x128xf32>, vector<1x128xf32> -> vector<2x128xf32>
    %slice3A_36 = vector.extract_strided_slice %mul3A {offsets = [128, 0], sizes = [128, 128], strides = [1, 1]} : vector<4096x128xf32> to vector<128x128xf32>
    %dot_general3A_37 = arith.constant dense<0.000000e+00> : vector<2x128xf32>
    %dot_general3A_38 = tpu.matmul %concatenate3A_35, %slice3A_36, %dot_general3A_37 {dimension_numbers = #tpu.dot_dimension_numbers<[1], [0], [0], [1], [0, 0, 1, 1], [], []>, transpose_lhs_hint = false} : vector<2x128xf32>, vector<128x128xf32>, vector<2x128xf32> -> vector<2x128xf32>
    %add3A_39 = arith.addf %add3A_25, %dot_general3A_38 : vector<2x128xf32>
    %slice3A_40 = vector.extract_strided_slice %mul3A_14 {offsets = [128, 0], sizes = [128, 128], strides = [1, 1]} : vector<4096x128xf32> to vector<128x128xf32>
    %dot_general3A_41 = arith.constant dense<0.000000e+00> : vector<2x128xf32>
    %dot_general3A_42 = tpu.matmul %concatenate3A_35, %slice3A_40, %dot_general3A_41 {dimension_numbers = #tpu.dot_dimension_numbers<[1], [0], [0], [1], [0, 0, 1, 1], [], []>, transpose_lhs_hint = false} : vector<2x128xf32>, vector<128x128xf32>, vector<2x128xf32> -> vector<2x128xf32>
    %add3A_43 = arith.addf %add3A_29, %dot_general3A_42 : vector<2x128xf32>
    %slice3A_44 = vector.extract_strided_slice %mul3A_15 {offsets = [128, 0], sizes = [128, 128], strides = [1, 1]} : vector<4096x128xf32> to vector<128x128xf32>
    %dot_general3A_45 = arith.constant dense<0.000000e+00> : vector<1x128xf32>
    %dot_general3A_46 = tpu.matmul %slice3A_34, %slice3A_44, %dot_general3A_45 {dimension_numbers = #tpu.dot_dimension_numbers<[1], [0], [0], [1], [0, 0, 1, 1], [], []>, transpose_lhs_hint = false} : vector<1x128xf32>, vector<128x128xf32>, vector<1x128xf32> -> vector<1x128xf32>
    %add3A_47 = arith.addf %add3A_33, %dot_general3A_46 : vector<1x128xf32>
    %slice3A_48 = vector.extract_strided_slice %div3A_13 {offsets = [2, 0], sizes = [1, 128], strides = [1, 1]} : vector<32x128xf32> to vector<1x128xf32>
    %concatenate3A_49 = tpu.concatenate %broadcast_in_dim3A_22, %slice3A_48 in 0 : vector<1x128xf32>, vector<1x128xf32> -> vector<2x128xf32>
    %slice3A_50 = vector.extract_strided_slice %mul3A {offsets = [256, 0], sizes = [128, 128], strides = [1, 1]} : vector<4096x128xf32> to vector<128x128xf32>
    %dot_general3A_51 = arith.constant dense<0.000000e+00> : vector<2x128xf32>
    %dot_general3A_52 = tpu.matmul %concatenate3A_49, %slice3A_50, %dot_general3A_51 {dimension_numbers = #tpu.dot_dimension_numbers<[1], [0], [0], [1], [0, 0, 1, 1], [], []>, transpose_lhs_hint = false} : vector<2x128xf32>, vector<128x128xf32>, vector<2x128xf32> -> vector<2x128xf32>
    %add3A_53 = arith.addf %add3A_39, %dot_general3A_52 : vector<2x128xf32>
    %slice3A_54 = vector.extract_strided_slice %mul3A_14 {offsets = [256, 0], sizes = [128, 128], strides = [1, 1]} : vector<4096x128xf32> to vector<128x128xf32>
    %dot_general3A_55 = arith.constant dense<0.000000e+00> : vector<2x128xf32>
    %dot_general3A_56 = tpu.matmul %concatenate3A_49, %slice3A_54, %dot_general3A_55 {dimension_numbers = #tpu.dot_dimension_numbers<[1], [0], [0], [1], [0, 0, 1, 1], [], []>, transpose_lhs_hint = false} : vector<2x128xf32>, vector<128x128xf32>, vector<2x128xf32> -> vector<2x128xf32>
    %add3A_57 = arith.addf %add3A_43, %dot_general3A_56 : vector<2x128xf32>
    %slice3A_58 = vector.extract_strided_slice %mul3A_15 {offsets = [256, 0], sizes = [128, 128], strides = [1, 1]} : vector<4096x128xf32> to vector<128x128xf32>
    %dot_general3A_59 = arith.constant dense<0.000000e+00> : vector<1x128xf32>
    %dot_general3A_60 = tpu.matmul %slice3A_48, %slice3A_58, %dot_general3A_59 {dimension_numbers = #tpu.dot_dimension_numbers<[1], [0], [0], [1], [0, 0, 1, 1], [], []>, transpose_lhs_hint = false} : vector<1x128xf32>, vector<128x128xf32>, vector<1x128xf32> -> vector<1x128xf32>
    %add3A_61 = arith.addf %add3A_47, %dot_general3A_60 : vector<1x128xf32>
    %slice3A_62 = vector.extract_strided_slice %div3A_13 {offsets = [3, 0], sizes = [1, 128], strides = [1, 1]} : vector<32x128xf32> to vector<1x128xf32>
    %concatenate3A_63 = tpu.concatenate %broadcast_in_dim3A_22, %slice3A_62 in 0 : vector<1x128xf32>, vector<1x128xf32> -> vector<2x128xf32>
    %slice3A_64 = vector.extract_strided_slice %mul3A {offsets = [384, 0], sizes = [128, 128], strides = [1, 1]} : vector<4096x128xf32> to vector<128x128xf32>
    %dot_general3A_65 = arith.constant dense<0.000000e+00> : vector<2x128xf32>
    %dot_general3A_66 = tpu.matmul %concatenate3A_63, %slice3A_64, %dot_general3A_65 {dimension_numbers = #tpu.dot_dimension_numbers<[1], [0], [0], [1], [0, 0, 1, 1], [], []>, transpose_lhs_hint = false} : vector<2x128xf32>, vector<128x128xf32>, vector<2x128xf32> -> vector<2x128xf32>
    %add3A_67 = arith.addf %add3A_53, %dot_general3A_66 : vector<2x128xf32>
    %slice3A_68 = vector.extract_strided_slice %mul3A_14 {offsets = [384, 0], sizes = [128, 128], strides = [1, 1]} : vector<4096x128xf32> to vector<128x128xf32>
    %dot_general3A_69 = arith.constant dense<0.000000e+00> : vector<2x128xf32>
    %dot_general3A_70 = tpu.matmul %concatenate3A_63, %slice3A_68, %dot_general3A_69 {dimension_numbers = #tpu.dot_dimension_numbers<[1], [0], [0], [1], [0, 0, 1, 1], [], []>, transpose_lhs_hint = false} : vector<2x128xf32>, vector<128x128xf32>, vector<2x128xf32> -> vector<2x128xf32>
    %add3A_71 = arith.addf %add3A_57, %dot_general3A_70 : vector<2x128xf32>
    %slice3A_72 = vector.extract_strided_slice %mul3A_15 {offsets = [384, 0], sizes = [128, 128], strides = [1, 1]} : vector<4096x128xf32> to vector<128x128xf32>
    %dot_general3A_73 = arith.constant dense<0.000000e+00> : vector<1x128xf32>
    %dot_general3A_74 = tpu.matmul %slice3A_62, %slice3A_72, %dot_general3A_73 {dimension_numbers = #tpu.dot_dimension_numbers<[1], [0], [0], [1], [0, 0, 1, 1], [], []>, transpose_lhs_hint = false} : vector<1x128xf32>, vector<128x128xf32>, vector<1x128xf32> -> vector<1x128xf32>
    %add3A_75 = arith.addf %add3A_61, %dot_general3A_74 : vector<1x128xf32>
    %slice3A_76 = vector.extract_strided_slice %div3A_13 {offsets = [4, 0], sizes = [1, 128], strides = [1, 1]} : vector<32x128xf32> to vector<1x128xf32>
    %concatenate3A_77 = tpu.concatenate %broadcast_in_dim3A_22, %slice3A_76 in 0 : vector<1x128xf32>, vector<1x128xf32> -> vector<2x128xf32>
    %slice3A_78 = vector.extract_strided_slice %mul3A {offsets = [512, 0], sizes = [128, 128], strides = [1, 1]} : vector<4096x128xf32> to vector<128x128xf32>
    %dot_general3A_79 = arith.constant dense<0.000000e+00> : vector<2x128xf32>
    %dot_general3A_80 = tpu.matmul %concatenate3A_77, %slice3A_78, %dot_general3A_79 {dimension_numbers = #tpu.dot_dimension_numbers<[1], [0], [0], [1], [0, 0, 1, 1], [], []>, transpose_lhs_hint = false} : vector<2x128xf32>, vector<128x128xf32>, vector<2x128xf32> -> vector<2x128xf32>
    %add3A_81 = arith.addf %add3A_67, %dot_general3A_80 : vector<2x128xf32>
    %slice3A_82 = vector.extract_strided_slice %mul3A_14 {offsets = [512, 0], sizes = [128, 128], strides = [1, 1]} : vector<4096x128xf32> to vector<128x128xf32>
    %dot_general3A_83 = arith.constant dense<0.000000e+00> : vector<2x128xf32>
    %dot_general3A_84 = tpu.matmul %concatenate3A_77, %slice3A_82, %dot_general3A_83 {dimension_numbers = #tpu.dot_dimension_numbers<[1], [0], [0], [1], [0, 0, 1, 1], [], []>, transpose_lhs_hint = false} : vector<2x128xf32>, vector<128x128xf32>, vector<2x128xf32> -> vector<2x128xf32>
    %add3A_85 = arith.addf %add3A_71, %dot_general3A_84 : vector<2x128xf32>
    %slice3A_86 = vector.extract_strided_slice %mul3A_15 {offsets = [512, 0], sizes = [128, 128], strides = [1, 1]} : vector<4096x128xf32> to vector<128x128xf32>
    %dot_general3A_87 = arith.constant dense<0.000000e+00> : vector<1x128xf32>
    %dot_general3A_88 = tpu.matmul %slice3A_76, %slice3A_86, %dot_general3A_87 {dimension_numbers = #tpu.dot_dimension_numbers<[1], [0], [0], [1], [0, 0, 1, 1], [], []>, transpose_lhs_hint = false} : vector<1x128xf32>, vector<128x128xf32>, vector<1x128xf32> -> vector<1x128xf32>
    %add3A_89 = arith.addf %add3A_75, %dot_general3A_88 : vector<1x128xf32>
    %slice3A_90 = vector.extract_strided_slice %div3A_13 {offsets = [5, 0], sizes = [1, 128], strides = [1, 1]} : vector<32x128xf32> to vector<1x128xf32>
    %concatenate3A_91 = tpu.concatenate %broadcast_in_dim3A_22, %slice3A_90 in 0 : vector<1x128xf32>, vector<1x128xf32> -> vector<2x128xf32>
    %slice3A_92 = vector.extract_strided_slice %mul3A {offsets = [640, 0], sizes = [128, 128], strides = [1, 1]} : vector<4096x128xf32> to vector<128x128xf32>
    %dot_general3A_93 = arith.constant dense<0.000000e+00> : vector<2x128xf32>
    %dot_general3A_94 = tpu.matmul %concatenate3A_91, %slice3A_92, %dot_general3A_93 {dimension_numbers = #tpu.dot_dimension_numbers<[1], [0], [0], [1], [0, 0, 1, 1], [], []>, transpose_lhs_hint = false} : vector<2x128xf32>, vector<128x128xf32>, vector<2x128xf32> -> vector<2x128xf32>
    %add3A_95 = arith.addf %add3A_81, %dot_general3A_94 : vector<2x128xf32>
    %slice3A_96 = vector.extract_strided_slice %mul3A_14 {offsets = [640, 0], sizes = [128, 128], strides = [1, 1]} : vector<4096x128xf32> to vector<128x128xf32>
    %dot_general3A_97 = arith.constant dense<0.000000e+00> : vector<2x128xf32>
    %dot_general3A_98 = tpu.matmul %concatenate3A_91, %slice3A_96, %dot_general3A_97 {dimension_numbers = #tpu.dot_dimension_numbers<[1], [0], [0], [1], [0, 0, 1, 1], [], []>, transpose_lhs_hint = false} : vector<2x128xf32>, vector<128x128xf32>, vector<2x128xf32> -> vector<2x128xf32>
    %add3A_99 = arith.addf %add3A_85, %dot_general3A_98 : vector<2x128xf32>
    %slice3A_100 = vector.extract_strided_slice %mul3A_15 {offsets = [640, 0], sizes = [128, 128], strides = [1, 1]} : vector<4096x128xf32> to vector<128x128xf32>
    %dot_general3A_101 = arith.constant dense<0.000000e+00> : vector<1x128xf32>
    %dot_general3A_102 = tpu.matmul %slice3A_90, %slice3A_100, %dot_general3A_101 {dimension_numbers = #tpu.dot_dimension_numbers<[1], [0], [0], [1], [0, 0, 1, 1], [], []>, transpose_lhs_hint = false} : vector<1x128xf32>, vector<128x128xf32>, vector<1x128xf32> -> vector<1x128xf32>
    %add3A_103 = arith.addf %add3A_89, %dot_general3A_102 : vector<1x128xf32>
    %slice3A_104 = vector.extract_strided_slice %div3A_13 {offsets = [6, 0], sizes = [1, 128], strides = [1, 1]} : vector<32x128xf32> to vector<1x128xf32>
    %concatenate3A_105 = tpu.concatenate %broadcast_in_dim3A_22, %slice3A_104 in 0 : vector<1x128xf32>, vector<1x128xf32> -> vector<2x128xf32>
    %slice3A_106 = vector.extract_strided_slice %mul3A {offsets = [768, 0], sizes = [128, 128], strides = [1, 1]} : vector<4096x128xf32> to vector<128x128xf32>
    %dot_general3A_107 = arith.constant dense<0.000000e+00> : vector<2x128xf32>
    %dot_general3A_108 = tpu.matmul %concatenate3A_105, %slice3A_106, %dot_general3A_107 {dimension_numbers = #tpu.dot_dimension_numbers<[1], [0], [0], [1], [0, 0, 1, 1], [], []>, transpose_lhs_hint = false} : vector<2x128xf32>, vector<128x128xf32>, vector<2x128xf32> -> vector<2x128xf32>
    %add3A_109 = arith.addf %add3A_95, %dot_general3A_108 : vector<2x128xf32>
    %slice3A_110 = vector.extract_strided_slice %mul3A_14 {offsets = [768, 0], sizes = [128, 128], strides = [1, 1]} : vector<4096x128xf32> to vector<128x128xf32>
    %dot_general3A_111 = arith.constant dense<0.000000e+00> : vector<2x128xf32>
    %dot_general3A_112 = tpu.matmul %concatenate3A_105, %slice3A_110, %dot_general3A_111 {dimension_numbers = #tpu.dot_dimension_numbers<[1], [0], [0], [1], [0, 0, 1, 1], [], []>, transpose_lhs_hint = false} : vector<2x128xf32>, vector<128x128xf32>, vector<2x128xf32> -> vector<2x128xf32>
    %add3A_113 = arith.addf %add3A_99, %dot_general3A_112 : vector<2x128xf32>
    %slice3A_114 = vector.extract_strided_slice %mul3A_15 {offsets = [768, 0], sizes = [128, 128], strides = [1, 1]} : vector<4096x128xf32> to vector<128x128xf32>
    %dot_general3A_115 = arith.constant dense<0.000000e+00> : vector<1x128xf32>
    %dot_general3A_116 = tpu.matmul %slice3A_104, %slice3A_114, %dot_general3A_115 {dimension_numbers = #tpu.dot_dimension_numbers<[1], [0], [0], [1], [0, 0, 1, 1], [], []>, transpose_lhs_hint = false} : vector<1x128xf32>, vector<128x128xf32>, vector<1x128xf32> -> vector<1x128xf32>
    %add3A_117 = arith.addf %add3A_103, %dot_general3A_116 : vector<1x128xf32>
    %slice3A_118 = vector.extract_strided_slice %div3A_13 {offsets = [7, 0], sizes = [1, 128], strides = [1, 1]} : vector<32x128xf32> to vector<1x128xf32>
    %concatenate3A_119 = tpu.concatenate %broadcast_in_dim3A_22, %slice3A_118 in 0 : vector<1x128xf32>, vector<1x128xf32> -> vector<2x128xf32>
    %slice3A_120 = vector.extract_strided_slice %mul3A {offsets = [896, 0], sizes = [128, 128], strides = [1, 1]} : vector<4096x128xf32> to vector<128x128xf32>
    %dot_general3A_121 = arith.constant dense<0.000000e+00> : vector<2x128xf32>
    %dot_general3A_122 = tpu.matmul %concatenate3A_119, %slice3A_120, %dot_general3A_121 {dimension_numbers = #tpu.dot_dimension_numbers<[1], [0], [0], [1], [0, 0, 1, 1], [], []>, transpose_lhs_hint = false} : vector<2x128xf32>, vector<128x128xf32>, vector<2x128xf32> -> vector<2x128xf32>
    %add3A_123 = arith.addf %add3A_109, %dot_general3A_122 : vector<2x128xf32>
    %slice3A_124 = vector.extract_strided_slice %mul3A_14 {offsets = [896, 0], sizes = [128, 128], strides = [1, 1]} : vector<4096x128xf32> to vector<128x128xf32>
    %dot_general3A_125 = arith.constant dense<0.000000e+00> : vector<2x128xf32>
    %dot_general3A_126 = tpu.matmul %concatenate3A_119, %slice3A_124, %dot_general3A_125 {dimension_numbers = #tpu.dot_dimension_numbers<[1], [0], [0], [1], [0, 0, 1, 1], [], []>, transpose_lhs_hint = false} : vector<2x128xf32>, vector<128x128xf32>, vector<2x128xf32> -> vector<2x128xf32>
    %add3A_127 = arith.addf %add3A_113, %dot_general3A_126 : vector<2x128xf32>
    %slice3A_128 = vector.extract_strided_slice %mul3A_15 {offsets = [896, 0], sizes = [128, 128], strides = [1, 1]} : vector<4096x128xf32> to vector<128x128xf32>
    %dot_general3A_129 = arith.constant dense<0.000000e+00> : vector<1x128xf32>
    %dot_general3A_130 = tpu.matmul %slice3A_118, %slice3A_128, %dot_general3A_129 {dimension_numbers = #tpu.dot_dimension_numbers<[1], [0], [0], [1], [0, 0, 1, 1], [], []>, transpose_lhs_hint = false} : vector<1x128xf32>, vector<128x128xf32>, vector<1x128xf32> -> vector<1x128xf32>
    %add3A_131 = arith.addf %add3A_117, %dot_general3A_130 : vector<1x128xf32>
    %slice3A_132 = vector.extract_strided_slice %div3A_13 {offsets = [8, 0], sizes = [1, 128], strides = [1, 1]} : vector<32x128xf32> to vector<1x128xf32>
    %concatenate3A_133 = tpu.concatenate %broadcast_in_dim3A_22, %slice3A_132 in 0 : vector<1x128xf32>, vector<1x128xf32> -> vector<2x128xf32>
    %slice3A_134 = vector.extract_strided_slice %mul3A {offsets = [1024, 0], sizes = [128, 128], strides = [1, 1]} : vector<4096x128xf32> to vector<128x128xf32>
    %dot_general3A_135 = arith.constant dense<0.000000e+00> : vector<2x128xf32>
    %dot_general3A_136 = tpu.matmul %concatenate3A_133, %slice3A_134, %dot_general3A_135 {dimension_numbers = #tpu.dot_dimension_numbers<[1], [0], [0], [1], [0, 0, 1, 1], [], []>, transpose_lhs_hint = false} : vector<2x128xf32>, vector<128x128xf32>, vector<2x128xf32> -> vector<2x128xf32>
    %add3A_137 = arith.addf %add3A_123, %dot_general3A_136 : vector<2x128xf32>
    %slice3A_138 = vector.extract_strided_slice %mul3A_14 {offsets = [1024, 0], sizes = [128, 128], strides = [1, 1]} : vector<4096x128xf32> to vector<128x128xf32>
    %dot_general3A_139 = arith.constant dense<0.000000e+00> : vector<2x128xf32>
    %dot_general3A_140 = tpu.matmul %concatenate3A_133, %slice3A_138, %dot_general3A_139 {dimension_numbers = #tpu.dot_dimension_numbers<[1], [0], [0], [1], [0, 0, 1, 1], [], []>, transpose_lhs_hint = false} : vector<2x128xf32>, vector<128x128xf32>, vector<2x128xf32> -> vector<2x128xf32>
    %add3A_141 = arith.addf %add3A_127, %dot_general3A_140 : vector<2x128xf32>
    %slice3A_142 = vector.extract_strided_slice %mul3A_15 {offsets = [1024, 0], sizes = [128, 128], strides = [1, 1]} : vector<4096x128xf32> to vector<128x128xf32>
    %dot_general3A_143 = arith.constant dense<0.000000e+00> : vector<1x128xf32>
    %dot_general3A_144 = tpu.matmul %slice3A_132, %slice3A_142, %dot_general3A_143 {dimension_numbers = #tpu.dot_dimension_numbers<[1], [0], [0], [1], [0, 0, 1, 1], [], []>, transpose_lhs_hint = false} : vector<1x128xf32>, vector<128x128xf32>, vector<1x128xf32> -> vector<1x128xf32>
    %add3A_145 = arith.addf %add3A_131, %dot_general3A_144 : vector<1x128xf32>
    %slice3A_146 = vector.extract_strided_slice %div3A_13 {offsets = [9, 0], sizes = [1, 128], strides = [1, 1]} : vector<32x128xf32> to vector<1x128xf32>
    %concatenate3A_147 = tpu.concatenate %broadcast_in_dim3A_22, %slice3A_146 in 0 : vector<1x128xf32>, vector<1x128xf32> -> vector<2x128xf32>
    %slice3A_148 = vector.extract_strided_slice %mul3A {offsets = [1152, 0], sizes = [128, 128], strides = [1, 1]} : vector<4096x128xf32> to vector<128x128xf32>
    %dot_general3A_149 = arith.constant dense<0.000000e+00> : vector<2x128xf32>
    %dot_general3A_150 = tpu.matmul %concatenate3A_147, %slice3A_148, %dot_general3A_149 {dimension_numbers = #tpu.dot_dimension_numbers<[1], [0], [0], [1], [0, 0, 1, 1], [], []>, transpose_lhs_hint = false} : vector<2x128xf32>, vector<128x128xf32>, vector<2x128xf32> -> vector<2x128xf32>
    %add3A_151 = arith.addf %add3A_137, %dot_general3A_150 : vector<2x128xf32>
    %slice3A_152 = vector.extract_strided_slice %mul3A_14 {offsets = [1152, 0], sizes = [128, 128], strides = [1, 1]} : vector<4096x128xf32> to vector<128x128xf32>
    %dot_general3A_153 = arith.constant dense<0.000000e+00> : vector<2x128xf32>
    %dot_general3A_154 = tpu.matmul %concatenate3A_147, %slice3A_152, %dot_general3A_153 {dimension_numbers = #tpu.dot_dimension_numbers<[1], [0], [0], [1], [0, 0, 1, 1], [], []>, transpose_lhs_hint = false} : vector<2x128xf32>, vector<128x128xf32>, vector<2x128xf32> -> vector<2x128xf32>
    %add3A_155 = arith.addf %add3A_141, %dot_general3A_154 : vector<2x128xf32>
    %slice3A_156 = vector.extract_strided_slice %mul3A_15 {offsets = [1152, 0], sizes = [128, 128], strides = [1, 1]} : vector<4096x128xf32> to vector<128x128xf32>
    %dot_general3A_157 = arith.constant dense<0.000000e+00> : vector<1x128xf32>
    %dot_general3A_158 = tpu.matmul %slice3A_146, %slice3A_156, %dot_general3A_157 {dimension_numbers = #tpu.dot_dimension_numbers<[1], [0], [0], [1], [0, 0, 1, 1], [], []>, transpose_lhs_hint = false} : vector<1x128xf32>, vector<128x128xf32>, vector<1x128xf32> -> vector<1x128xf32>
    %add3A_159 = arith.addf %add3A_145, %dot_general3A_158 : vector<1x128xf32>
    %slice3A_160 = vector.extract_strided_slice %div3A_13 {offsets = [10, 0], sizes = [1, 128], strides = [1, 1]} : vector<32x128xf32> to vector<1x128xf32>
    %concatenate3A_161 = tpu.concatenate %broadcast_in_dim3A_22, %slice3A_160 in 0 : vector<1x128xf32>, vector<1x128xf32> -> vector<2x128xf32>
    %slice3A_162 = vector.extract_strided_slice %mul3A {offsets = [1280, 0], sizes = [128, 128], strides = [1, 1]} : vector<4096x128xf32> to vector<128x128xf32>
    %dot_general3A_163 = arith.constant dense<0.000000e+00> : vector<2x128xf32>
    %dot_general3A_164 = tpu.matmul %concatenate3A_161, %slice3A_162, %dot_general3A_163 {dimension_numbers = #tpu.dot_dimension_numbers<[1], [0], [0], [1], [0, 0, 1, 1], [], []>, transpose_lhs_hint = false} : vector<2x128xf32>, vector<128x128xf32>, vector<2x128xf32> -> vector<2x128xf32>
    %add3A_165 = arith.addf %add3A_151, %dot_general3A_164 : vector<2x128xf32>
    %slice3A_166 = vector.extract_strided_slice %mul3A_14 {offsets = [1280, 0], sizes = [128, 128], strides = [1, 1]} : vector<4096x128xf32> to vector<128x128xf32>
    %dot_general3A_167 = arith.constant dense<0.000000e+00> : vector<2x128xf32>
    %dot_general3A_168 = tpu.matmul %concatenate3A_161, %slice3A_166, %dot_general3A_167 {dimension_numbers = #tpu.dot_dimension_numbers<[1], [0], [0], [1], [0, 0, 1, 1], [], []>, transpose_lhs_hint = false} : vector<2x128xf32>, vector<128x128xf32>, vector<2x128xf32> -> vector<2x128xf32>
    %add3A_169 = arith.addf %add3A_155, %dot_general3A_168 : vector<2x128xf32>
    %slice3A_170 = vector.extract_strided_slice %mul3A_15 {offsets = [1280, 0], sizes = [128, 128], strides = [1, 1]} : vector<4096x128xf32> to vector<128x128xf32>
    %dot_general3A_171 = arith.constant dense<0.000000e+00> : vector<1x128xf32>
    %dot_general3A_172 = tpu.matmul %slice3A_160, %slice3A_170, %dot_general3A_171 {dimension_numbers = #tpu.dot_dimension_numbers<[1], [0], [0], [1], [0, 0, 1, 1], [], []>, transpose_lhs_hint = false} : vector<1x128xf32>, vector<128x128xf32>, vector<1x128xf32> -> vector<1x128xf32>
    %add3A_173 = arith.addf %add3A_159, %dot_general3A_172 : vector<1x128xf32>
    %slice3A_174 = vector.extract_strided_slice %div3A_13 {offsets = [11, 0], sizes = [1, 128], strides = [1, 1]} : vector<32x128xf32> to vector<1x128xf32>
    %concatenate3A_175 = tpu.concatenate %broadcast_in_dim3A_22, %slice3A_174 in 0 : vector<1x128xf32>, vector<1x128xf32> -> vector<2x128xf32>
    %slice3A_176 = vector.extract_strided_slice %mul3A {offsets = [1408, 0], sizes = [128, 128], strides = [1, 1]} : vector<4096x128xf32> to vector<128x128xf32>
    %dot_general3A_177 = arith.constant dense<0.000000e+00> : vector<2x128xf32>
    %dot_general3A_178 = tpu.matmul %concatenate3A_175, %slice3A_176, %dot_general3A_177 {dimension_numbers = #tpu.dot_dimension_numbers<[1], [0], [0], [1], [0, 0, 1, 1], [], []>, transpose_lhs_hint = false} : vector<2x128xf32>, vector<128x128xf32>, vector<2x128xf32> -> vector<2x128xf32>
    %add3A_179 = arith.addf %add3A_165, %dot_general3A_178 : vector<2x128xf32>
    %slice3A_180 = vector.extract_strided_slice %mul3A_14 {offsets = [1408, 0], sizes = [128, 128], strides = [1, 1]} : vector<4096x128xf32> to vector<128x128xf32>
    %dot_general3A_181 = arith.constant dense<0.000000e+00> : vector<2x128xf32>
    %dot_general3A_182 = tpu.matmul %concatenate3A_175, %slice3A_180, %dot_general3A_181 {dimension_numbers = #tpu.dot_dimension_numbers<[1], [0], [0], [1], [0, 0, 1, 1], [], []>, transpose_lhs_hint = false} : vector<2x128xf32>, vector<128x128xf32>, vector<2x128xf32> -> vector<2x128xf32>
    %add3A_183 = arith.addf %add3A_169, %dot_general3A_182 : vector<2x128xf32>
    %slice3A_184 = vector.extract_strided_slice %mul3A_15 {offsets = [1408, 0], sizes = [128, 128], strides = [1, 1]} : vector<4096x128xf32> to vector<128x128xf32>
    %dot_general3A_185 = arith.constant dense<0.000000e+00> : vector<1x128xf32>
    %dot_general3A_186 = tpu.matmul %slice3A_174, %slice3A_184, %dot_general3A_185 {dimension_numbers = #tpu.dot_dimension_numbers<[1], [0], [0], [1], [0, 0, 1, 1], [], []>, transpose_lhs_hint = false} : vector<1x128xf32>, vector<128x128xf32>, vector<1x128xf32> -> vector<1x128xf32>
    %add3A_187 = arith.addf %add3A_173, %dot_general3A_186 : vector<1x128xf32>
    %slice3A_188 = vector.extract_strided_slice %div3A_13 {offsets = [12, 0], sizes = [1, 128], strides = [1, 1]} : vector<32x128xf32> to vector<1x128xf32>
    %concatenate3A_189 = tpu.concatenate %broadcast_in_dim3A_22, %slice3A_188 in 0 : vector<1x128xf32>, vector<1x128xf32> -> vector<2x128xf32>
    %slice3A_190 = vector.extract_strided_slice %mul3A {offsets = [1536, 0], sizes = [128, 128], strides = [1, 1]} : vector<4096x128xf32> to vector<128x128xf32>
    %dot_general3A_191 = arith.constant dense<0.000000e+00> : vector<2x128xf32>
    %dot_general3A_192 = tpu.matmul %concatenate3A_189, %slice3A_190, %dot_general3A_191 {dimension_numbers = #tpu.dot_dimension_numbers<[1], [0], [0], [1], [0, 0, 1, 1], [], []>, transpose_lhs_hint = false} : vector<2x128xf32>, vector<128x128xf32>, vector<2x128xf32> -> vector<2x128xf32>
    %add3A_193 = arith.addf %add3A_179, %dot_general3A_192 : vector<2x128xf32>
    %slice3A_194 = vector.extract_strided_slice %mul3A_14 {offsets = [1536, 0], sizes = [128, 128], strides = [1, 1]} : vector<4096x128xf32> to vector<128x128xf32>
    %dot_general3A_195 = arith.constant dense<0.000000e+00> : vector<2x128xf32>
    %dot_general3A_196 = tpu.matmul %concatenate3A_189, %slice3A_194, %dot_general3A_195 {dimension_numbers = #tpu.dot_dimension_numbers<[1], [0], [0], [1], [0, 0, 1, 1], [], []>, transpose_lhs_hint = false} : vector<2x128xf32>, vector<128x128xf32>, vector<2x128xf32> -> vector<2x128xf32>
    %add3A_197 = arith.addf %add3A_183, %dot_general3A_196 : vector<2x128xf32>
    %slice3A_198 = vector.extract_strided_slice %mul3A_15 {offsets = [1536, 0], sizes = [128, 128], strides = [1, 1]} : vector<4096x128xf32> to vector<128x128xf32>
    %dot_general3A_199 = arith.constant dense<0.000000e+00> : vector<1x128xf32>
    %dot_general3A_200 = tpu.matmul %slice3A_188, %slice3A_198, %dot_general3A_199 {dimension_numbers = #tpu.dot_dimension_numbers<[1], [0], [0], [1], [0, 0, 1, 1], [], []>, transpose_lhs_hint = false} : vector<1x128xf32>, vector<128x128xf32>, vector<1x128xf32> -> vector<1x128xf32>
    %add3A_201 = arith.addf %add3A_187, %dot_general3A_200 : vector<1x128xf32>
    %slice3A_202 = vector.extract_strided_slice %div3A_13 {offsets = [13, 0], sizes = [1, 128], strides = [1, 1]} : vector<32x128xf32> to vector<1x128xf32>
    %concatenate3A_203 = tpu.concatenate %broadcast_in_dim3A_22, %slice3A_202 in 0 : vector<1x128xf32>, vector<1x128xf32> -> vector<2x128xf32>
    %slice3A_204 = vector.extract_strided_slice %mul3A {offsets = [1664, 0], sizes = [128, 128], strides = [1, 1]} : vector<4096x128xf32> to vector<128x128xf32>
    %dot_general3A_205 = arith.constant dense<0.000000e+00> : vector<2x128xf32>
    %dot_general3A_206 = tpu.matmul %concatenate3A_203, %slice3A_204, %dot_general3A_205 {dimension_numbers = #tpu.dot_dimension_numbers<[1], [0], [0], [1], [0, 0, 1, 1], [], []>, transpose_lhs_hint = false} : vector<2x128xf32>, vector<128x128xf32>, vector<2x128xf32> -> vector<2x128xf32>
    %add3A_207 = arith.addf %add3A_193, %dot_general3A_206 : vector<2x128xf32>
    %slice3A_208 = vector.extract_strided_slice %mul3A_14 {offsets = [1664, 0], sizes = [128, 128], strides = [1, 1]} : vector<4096x128xf32> to vector<128x128xf32>
    %dot_general3A_209 = arith.constant dense<0.000000e+00> : vector<2x128xf32>
    %dot_general3A_210 = tpu.matmul %concatenate3A_203, %slice3A_208, %dot_general3A_209 {dimension_numbers = #tpu.dot_dimension_numbers<[1], [0], [0], [1], [0, 0, 1, 1], [], []>, transpose_lhs_hint = false} : vector<2x128xf32>, vector<128x128xf32>, vector<2x128xf32> -> vector<2x128xf32>
    %add3A_211 = arith.addf %add3A_197, %dot_general3A_210 : vector<2x128xf32>
    %slice3A_212 = vector.extract_strided_slice %mul3A_15 {offsets = [1664, 0], sizes = [128, 128], strides = [1, 1]} : vector<4096x128xf32> to vector<128x128xf32>
    %dot_general3A_213 = arith.constant dense<0.000000e+00> : vector<1x128xf32>
    %dot_general3A_214 = tpu.matmul %slice3A_202, %slice3A_212, %dot_general3A_213 {dimension_numbers = #tpu.dot_dimension_numbers<[1], [0], [0], [1], [0, 0, 1, 1], [], []>, transpose_lhs_hint = false} : vector<1x128xf32>, vector<128x128xf32>, vector<1x128xf32> -> vector<1x128xf32>
    %add3A_215 = arith.addf %add3A_201, %dot_general3A_214 : vector<1x128xf32>
    %slice3A_216 = vector.extract_strided_slice %div3A_13 {offsets = [14, 0], sizes = [1, 128], strides = [1, 1]} : vector<32x128xf32> to vector<1x128xf32>
    %concatenate3A_217 = tpu.concatenate %broadcast_in_dim3A_22, %slice3A_216 in 0 : vector<1x128xf32>, vector<1x128xf32> -> vector<2x128xf32>
    %slice3A_218 = vector.extract_strided_slice %mul3A {offsets = [1792, 0], sizes = [128, 128], strides = [1, 1]} : vector<4096x128xf32> to vector<128x128xf32>
    %dot_general3A_219 = arith.constant dense<0.000000e+00> : vector<2x128xf32>
    %dot_general3A_220 = tpu.matmul %concatenate3A_217, %slice3A_218, %dot_general3A_219 {dimension_numbers = #tpu.dot_dimension_numbers<[1], [0], [0], [1], [0, 0, 1, 1], [], []>, transpose_lhs_hint = false} : vector<2x128xf32>, vector<128x128xf32>, vector<2x128xf32> -> vector<2x128xf32>
    %add3A_221 = arith.addf %add3A_207, %dot_general3A_220 : vector<2x128xf32>
    %slice3A_222 = vector.extract_strided_slice %mul3A_14 {offsets = [1792, 0], sizes = [128, 128], strides = [1, 1]} : vector<4096x128xf32> to vector<128x128xf32>
    %dot_general3A_223 = arith.constant dense<0.000000e+00> : vector<2x128xf32>
    %dot_general3A_224 = tpu.matmul %concatenate3A_217, %slice3A_222, %dot_general3A_223 {dimension_numbers = #tpu.dot_dimension_numbers<[1], [0], [0], [1], [0, 0, 1, 1], [], []>, transpose_lhs_hint = false} : vector<2x128xf32>, vector<128x128xf32>, vector<2x128xf32> -> vector<2x128xf32>
    %add3A_225 = arith.addf %add3A_211, %dot_general3A_224 : vector<2x128xf32>
    %slice3A_226 = vector.extract_strided_slice %mul3A_15 {offsets = [1792, 0], sizes = [128, 128], strides = [1, 1]} : vector<4096x128xf32> to vector<128x128xf32>
    %dot_general3A_227 = arith.constant dense<0.000000e+00> : vector<1x128xf32>
    %dot_general3A_228 = tpu.matmul %slice3A_216, %slice3A_226, %dot_general3A_227 {dimension_numbers = #tpu.dot_dimension_numbers<[1], [0], [0], [1], [0, 0, 1, 1], [], []>, transpose_lhs_hint = false} : vector<1x128xf32>, vector<128x128xf32>, vector<1x128xf32> -> vector<1x128xf32>
    %add3A_229 = arith.addf %add3A_215, %dot_general3A_228 : vector<1x128xf32>
    %slice3A_230 = vector.extract_strided_slice %div3A_13 {offsets = [15, 0], sizes = [1, 128], strides = [1, 1]} : vector<32x128xf32> to vector<1x128xf32>
    %concatenate3A_231 = tpu.concatenate %broadcast_in_dim3A_22, %slice3A_230 in 0 : vector<1x128xf32>, vector<1x128xf32> -> vector<2x128xf32>
    %slice3A_232 = vector.extract_strided_slice %mul3A {offsets = [1920, 0], sizes = [128, 128], strides = [1, 1]} : vector<4096x128xf32> to vector<128x128xf32>
    %dot_general3A_233 = arith.constant dense<0.000000e+00> : vector<2x128xf32>
    %dot_general3A_234 = tpu.matmul %concatenate3A_231, %slice3A_232, %dot_general3A_233 {dimension_numbers = #tpu.dot_dimension_numbers<[1], [0], [0], [1], [0, 0, 1, 1], [], []>, transpose_lhs_hint = false} : vector<2x128xf32>, vector<128x128xf32>, vector<2x128xf32> -> vector<2x128xf32>
    %add3A_235 = arith.addf %add3A_221, %dot_general3A_234 : vector<2x128xf32>
    %slice3A_236 = vector.extract_strided_slice %mul3A_14 {offsets = [1920, 0], sizes = [128, 128], strides = [1, 1]} : vector<4096x128xf32> to vector<128x128xf32>
    %dot_general3A_237 = arith.constant dense<0.000000e+00> : vector<2x128xf32>
    %dot_general3A_238 = tpu.matmul %concatenate3A_231, %slice3A_236, %dot_general3A_237 {dimension_numbers = #tpu.dot_dimension_numbers<[1], [0], [0], [1], [0, 0, 1, 1], [], []>, transpose_lhs_hint = false} : vector<2x128xf32>, vector<128x128xf32>, vector<2x128xf32> -> vector<2x128xf32>
    %add3A_239 = arith.addf %add3A_225, %dot_general3A_238 : vector<2x128xf32>
    %slice3A_240 = vector.extract_strided_slice %mul3A_15 {offsets = [1920, 0], sizes = [128, 128], strides = [1, 1]} : vector<4096x128xf32> to vector<128x128xf32>
    %dot_general3A_241 = arith.constant dense<0.000000e+00> : vector<1x128xf32>
    %dot_general3A_242 = tpu.matmul %slice3A_230, %slice3A_240, %dot_general3A_241 {dimension_numbers = #tpu.dot_dimension_numbers<[1], [0], [0], [1], [0, 0, 1, 1], [], []>, transpose_lhs_hint = false} : vector<1x128xf32>, vector<128x128xf32>, vector<1x128xf32> -> vector<1x128xf32>
    %add3A_243 = arith.addf %add3A_229, %dot_general3A_242 : vector<1x128xf32>
    %slice3A_244 = vector.extract_strided_slice %div3A_13 {offsets = [16, 0], sizes = [1, 128], strides = [1, 1]} : vector<32x128xf32> to vector<1x128xf32>
    %concatenate3A_245 = tpu.concatenate %broadcast_in_dim3A_22, %slice3A_244 in 0 : vector<1x128xf32>, vector<1x128xf32> -> vector<2x128xf32>
    %slice3A_246 = vector.extract_strided_slice %mul3A {offsets = [2048, 0], sizes = [128, 128], strides = [1, 1]} : vector<4096x128xf32> to vector<128x128xf32>
    %dot_general3A_247 = arith.constant dense<0.000000e+00> : vector<2x128xf32>
    %dot_general3A_248 = tpu.matmul %concatenate3A_245, %slice3A_246, %dot_general3A_247 {dimension_numbers = #tpu.dot_dimension_numbers<[1], [0], [0], [1], [0, 0, 1, 1], [], []>, transpose_lhs_hint = false} : vector<2x128xf32>, vector<128x128xf32>, vector<2x128xf32> -> vector<2x128xf32>
    %add3A_249 = arith.addf %add3A_235, %dot_general3A_248 : vector<2x128xf32>
    %slice3A_250 = vector.extract_strided_slice %mul3A_14 {offsets = [2048, 0], sizes = [128, 128], strides = [1, 1]} : vector<4096x128xf32> to vector<128x128xf32>
    %dot_general3A_251 = arith.constant dense<0.000000e+00> : vector<2x128xf32>
    %dot_general3A_252 = tpu.matmul %concatenate3A_245, %slice3A_250, %dot_general3A_251 {dimension_numbers = #tpu.dot_dimension_numbers<[1], [0], [0], [1], [0, 0, 1, 1], [], []>, transpose_lhs_hint = false} : vector<2x128xf32>, vector<128x128xf32>, vector<2x128xf32> -> vector<2x128xf32>
    %add3A_253 = arith.addf %add3A_239, %dot_general3A_252 : vector<2x128xf32>
    %slice3A_254 = vector.extract_strided_slice %mul3A_15 {offsets = [2048, 0], sizes = [128, 128], strides = [1, 1]} : vector<4096x128xf32> to vector<128x128xf32>
    %dot_general3A_255 = arith.constant dense<0.000000e+00> : vector<1x128xf32>
    %dot_general3A_256 = tpu.matmul %slice3A_244, %slice3A_254, %dot_general3A_255 {dimension_numbers = #tpu.dot_dimension_numbers<[1], [0], [0], [1], [0, 0, 1, 1], [], []>, transpose_lhs_hint = false} : vector<1x128xf32>, vector<128x128xf32>, vector<1x128xf32> -> vector<1x128xf32>
    %add3A_257 = arith.addf %add3A_243, %dot_general3A_256 : vector<1x128xf32>
    %slice3A_258 = vector.extract_strided_slice %div3A_13 {offsets = [17, 0], sizes = [1, 128], strides = [1, 1]} : vector<32x128xf32> to vector<1x128xf32>
    %concatenate3A_259 = tpu.concatenate %broadcast_in_dim3A_22, %slice3A_258 in 0 : vector<1x128xf32>, vector<1x128xf32> -> vector<2x128xf32>
    %slice3A_260 = vector.extract_strided_slice %mul3A {offsets = [2176, 0], sizes = [128, 128], strides = [1, 1]} : vector<4096x128xf32> to vector<128x128xf32>
    %dot_general3A_261 = arith.constant dense<0.000000e+00> : vector<2x128xf32>
    %dot_general3A_262 = tpu.matmul %concatenate3A_259, %slice3A_260, %dot_general3A_261 {dimension_numbers = #tpu.dot_dimension_numbers<[1], [0], [0], [1], [0, 0, 1, 1], [], []>, transpose_lhs_hint = false} : vector<2x128xf32>, vector<128x128xf32>, vector<2x128xf32> -> vector<2x128xf32>
    %add3A_263 = arith.addf %add3A_249, %dot_general3A_262 : vector<2x128xf32>
    %slice3A_264 = vector.extract_strided_slice %mul3A_14 {offsets = [2176, 0], sizes = [128, 128], strides = [1, 1]} : vector<4096x128xf32> to vector<128x128xf32>
    %dot_general3A_265 = arith.constant dense<0.000000e+00> : vector<2x128xf32>
    %dot_general3A_266 = tpu.matmul %concatenate3A_259, %slice3A_264, %dot_general3A_265 {dimension_numbers = #tpu.dot_dimension_numbers<[1], [0], [0], [1], [0, 0, 1, 1], [], []>, transpose_lhs_hint = false} : vector<2x128xf32>, vector<128x128xf32>, vector<2x128xf32> -> vector<2x128xf32>
    %add3A_267 = arith.addf %add3A_253, %dot_general3A_266 : vector<2x128xf32>
    %slice3A_268 = vector.extract_strided_slice %mul3A_15 {offsets = [2176, 0], sizes = [128, 128], strides = [1, 1]} : vector<4096x128xf32> to vector<128x128xf32>
    %dot_general3A_269 = arith.constant dense<0.000000e+00> : vector<1x128xf32>
    %dot_general3A_270 = tpu.matmul %slice3A_258, %slice3A_268, %dot_general3A_269 {dimension_numbers = #tpu.dot_dimension_numbers<[1], [0], [0], [1], [0, 0, 1, 1], [], []>, transpose_lhs_hint = false} : vector<1x128xf32>, vector<128x128xf32>, vector<1x128xf32> -> vector<1x128xf32>
    %add3A_271 = arith.addf %add3A_257, %dot_general3A_270 : vector<1x128xf32>
    %slice3A_272 = vector.extract_strided_slice %div3A_13 {offsets = [18, 0], sizes = [1, 128], strides = [1, 1]} : vector<32x128xf32> to vector<1x128xf32>
    %concatenate3A_273 = tpu.concatenate %broadcast_in_dim3A_22, %slice3A_272 in 0 : vector<1x128xf32>, vector<1x128xf32> -> vector<2x128xf32>
    %slice3A_274 = vector.extract_strided_slice %mul3A {offsets = [2304, 0], sizes = [128, 128], strides = [1, 1]} : vector<4096x128xf32> to vector<128x128xf32>
    %dot_general3A_275 = arith.constant dense<0.000000e+00> : vector<2x128xf32>
    %dot_general3A_276 = tpu.matmul %concatenate3A_273, %slice3A_274, %dot_general3A_275 {dimension_numbers = #tpu.dot_dimension_numbers<[1], [0], [0], [1], [0, 0, 1, 1], [], []>, transpose_lhs_hint = false} : vector<2x128xf32>, vector<128x128xf32>, vector<2x128xf32> -> vector<2x128xf32>
    %add3A_277 = arith.addf %add3A_263, %dot_general3A_276 : vector<2x128xf32>
    %slice3A_278 = vector.extract_strided_slice %mul3A_14 {offsets = [2304, 0], sizes = [128, 128], strides = [1, 1]} : vector<4096x128xf32> to vector<128x128xf32>
    %dot_general3A_279 = arith.constant dense<0.000000e+00> : vector<2x128xf32>
    %dot_general3A_280 = tpu.matmul %concatenate3A_273, %slice3A_278, %dot_general3A_279 {dimension_numbers = #tpu.dot_dimension_numbers<[1], [0], [0], [1], [0, 0, 1, 1], [], []>, transpose_lhs_hint = false} : vector<2x128xf32>, vector<128x128xf32>, vector<2x128xf32> -> vector<2x128xf32>
    %add3A_281 = arith.addf %add3A_267, %dot_general3A_280 : vector<2x128xf32>
    %slice3A_282 = vector.extract_strided_slice %mul3A_15 {offsets = [2304, 0], sizes = [128, 128], strides = [1, 1]} : vector<4096x128xf32> to vector<128x128xf32>
    %dot_general3A_283 = arith.constant dense<0.000000e+00> : vector<1x128xf32>
    %dot_general3A_284 = tpu.matmul %slice3A_272, %slice3A_282, %dot_general3A_283 {dimension_numbers = #tpu.dot_dimension_numbers<[1], [0], [0], [1], [0, 0, 1, 1], [], []>, transpose_lhs_hint = false} : vector<1x128xf32>, vector<128x128xf32>, vector<1x128xf32> -> vector<1x128xf32>
    %add3A_285 = arith.addf %add3A_271, %dot_general3A_284 : vector<1x128xf32>
    %slice3A_286 = vector.extract_strided_slice %div3A_13 {offsets = [19, 0], sizes = [1, 128], strides = [1, 1]} : vector<32x128xf32> to vector<1x128xf32>
    %concatenate3A_287 = tpu.concatenate %broadcast_in_dim3A_22, %slice3A_286 in 0 : vector<1x128xf32>, vector<1x128xf32> -> vector<2x128xf32>
    %slice3A_288 = vector.extract_strided_slice %mul3A {offsets = [2432, 0], sizes = [128, 128], strides = [1, 1]} : vector<4096x128xf32> to vector<128x128xf32>
    %dot_general3A_289 = arith.constant dense<0.000000e+00> : vector<2x128xf32>
    %dot_general3A_290 = tpu.matmul %concatenate3A_287, %slice3A_288, %dot_general3A_289 {dimension_numbers = #tpu.dot_dimension_numbers<[1], [0], [0], [1], [0, 0, 1, 1], [], []>, transpose_lhs_hint = false} : vector<2x128xf32>, vector<128x128xf32>, vector<2x128xf32> -> vector<2x128xf32>
    %add3A_291 = arith.addf %add3A_277, %dot_general3A_290 : vector<2x128xf32>
    %slice3A_292 = vector.extract_strided_slice %mul3A_14 {offsets = [2432, 0], sizes = [128, 128], strides = [1, 1]} : vector<4096x128xf32> to vector<128x128xf32>
    %dot_general3A_293 = arith.constant dense<0.000000e+00> : vector<2x128xf32>
    %dot_general3A_294 = tpu.matmul %concatenate3A_287, %slice3A_292, %dot_general3A_293 {dimension_numbers = #tpu.dot_dimension_numbers<[1], [0], [0], [1], [0, 0, 1, 1], [], []>, transpose_lhs_hint = false} : vector<2x128xf32>, vector<128x128xf32>, vector<2x128xf32> -> vector<2x128xf32>
    %add3A_295 = arith.addf %add3A_281, %dot_general3A_294 : vector<2x128xf32>
    %slice3A_296 = vector.extract_strided_slice %mul3A_15 {offsets = [2432, 0], sizes = [128, 128], strides = [1, 1]} : vector<4096x128xf32> to vector<128x128xf32>
    %dot_general3A_297 = arith.constant dense<0.000000e+00> : vector<1x128xf32>
    %dot_general3A_298 = tpu.matmul %slice3A_286, %slice3A_296, %dot_general3A_297 {dimension_numbers = #tpu.dot_dimension_numbers<[1], [0], [0], [1], [0, 0, 1, 1], [], []>, transpose_lhs_hint = false} : vector<1x128xf32>, vector<128x128xf32>, vector<1x128xf32> -> vector<1x128xf32>
    %add3A_299 = arith.addf %add3A_285, %dot_general3A_298 : vector<1x128xf32>
    %slice3A_300 = vector.extract_strided_slice %div3A_13 {offsets = [20, 0], sizes = [1, 128], strides = [1, 1]} : vector<32x128xf32> to vector<1x128xf32>
    %concatenate3A_301 = tpu.concatenate %broadcast_in_dim3A_22, %slice3A_300 in 0 : vector<1x128xf32>, vector<1x128xf32> -> vector<2x128xf32>
    %slice3A_302 = vector.extract_strided_slice %mul3A {offsets = [2560, 0], sizes = [128, 128], strides = [1, 1]} : vector<4096x128xf32> to vector<128x128xf32>
    %dot_general3A_303 = arith.constant dense<0.000000e+00> : vector<2x128xf32>
    %dot_general3A_304 = tpu.matmul %concatenate3A_301, %slice3A_302, %dot_general3A_303 {dimension_numbers = #tpu.dot_dimension_numbers<[1], [0], [0], [1], [0, 0, 1, 1], [], []>, transpose_lhs_hint = false} : vector<2x128xf32>, vector<128x128xf32>, vector<2x128xf32> -> vector<2x128xf32>
    %add3A_305 = arith.addf %add3A_291, %dot_general3A_304 : vector<2x128xf32>
    %slice3A_306 = vector.extract_strided_slice %mul3A_14 {offsets = [2560, 0], sizes = [128, 128], strides = [1, 1]} : vector<4096x128xf32> to vector<128x128xf32>
    %dot_general3A_307 = arith.constant dense<0.000000e+00> : vector<2x128xf32>
    %dot_general3A_308 = tpu.matmul %concatenate3A_301, %slice3A_306, %dot_general3A_307 {dimension_numbers = #tpu.dot_dimension_numbers<[1], [0], [0], [1], [0, 0, 1, 1], [], []>, transpose_lhs_hint = false} : vector<2x128xf32>, vector<128x128xf32>, vector<2x128xf32> -> vector<2x128xf32>
    %add3A_309 = arith.addf %add3A_295, %dot_general3A_308 : vector<2x128xf32>
    %slice3A_310 = vector.extract_strided_slice %mul3A_15 {offsets = [2560, 0], sizes = [128, 128], strides = [1, 1]} : vector<4096x128xf32> to vector<128x128xf32>
    %dot_general3A_311 = arith.constant dense<0.000000e+00> : vector<1x128xf32>
    %dot_general3A_312 = tpu.matmul %slice3A_300, %slice3A_310, %dot_general3A_311 {dimension_numbers = #tpu.dot_dimension_numbers<[1], [0], [0], [1], [0, 0, 1, 1], [], []>, transpose_lhs_hint = false} : vector<1x128xf32>, vector<128x128xf32>, vector<1x128xf32> -> vector<1x128xf32>
    %add3A_313 = arith.addf %add3A_299, %dot_general3A_312 : vector<1x128xf32>
    %slice3A_314 = vector.extract_strided_slice %div3A_13 {offsets = [21, 0], sizes = [1, 128], strides = [1, 1]} : vector<32x128xf32> to vector<1x128xf32>
    %concatenate3A_315 = tpu.concatenate %broadcast_in_dim3A_22, %slice3A_314 in 0 : vector<1x128xf32>, vector<1x128xf32> -> vector<2x128xf32>
    %slice3A_316 = vector.extract_strided_slice %mul3A {offsets = [2688, 0], sizes = [128, 128], strides = [1, 1]} : vector<4096x128xf32> to vector<128x128xf32>
    %dot_general3A_317 = arith.constant dense<0.000000e+00> : vector<2x128xf32>
    %dot_general3A_318 = tpu.matmul %concatenate3A_315, %slice3A_316, %dot_general3A_317 {dimension_numbers = #tpu.dot_dimension_numbers<[1], [0], [0], [1], [0, 0, 1, 1], [], []>, transpose_lhs_hint = false} : vector<2x128xf32>, vector<128x128xf32>, vector<2x128xf32> -> vector<2x128xf32>
    %add3A_319 = arith.addf %add3A_305, %dot_general3A_318 : vector<2x128xf32>
    %slice3A_320 = vector.extract_strided_slice %mul3A_14 {offsets = [2688, 0], sizes = [128, 128], strides = [1, 1]} : vector<4096x128xf32> to vector<128x128xf32>
    %dot_general3A_321 = arith.constant dense<0.000000e+00> : vector<2x128xf32>
    %dot_general3A_322 = tpu.matmul %concatenate3A_315, %slice3A_320, %dot_general3A_321 {dimension_numbers = #tpu.dot_dimension_numbers<[1], [0], [0], [1], [0, 0, 1, 1], [], []>, transpose_lhs_hint = false} : vector<2x128xf32>, vector<128x128xf32>, vector<2x128xf32> -> vector<2x128xf32>
    %add3A_323 = arith.addf %add3A_309, %dot_general3A_322 : vector<2x128xf32>
    %slice3A_324 = vector.extract_strided_slice %mul3A_15 {offsets = [2688, 0], sizes = [128, 128], strides = [1, 1]} : vector<4096x128xf32> to vector<128x128xf32>
    %dot_general3A_325 = arith.constant dense<0.000000e+00> : vector<1x128xf32>
    %dot_general3A_326 = tpu.matmul %slice3A_314, %slice3A_324, %dot_general3A_325 {dimension_numbers = #tpu.dot_dimension_numbers<[1], [0], [0], [1], [0, 0, 1, 1], [], []>, transpose_lhs_hint = false} : vector<1x128xf32>, vector<128x128xf32>, vector<1x128xf32> -> vector<1x128xf32>
    %add3A_327 = arith.addf %add3A_313, %dot_general3A_326 : vector<1x128xf32>
    %slice3A_328 = vector.extract_strided_slice %div3A_13 {offsets = [22, 0], sizes = [1, 128], strides = [1, 1]} : vector<32x128xf32> to vector<1x128xf32>
    %concatenate3A_329 = tpu.concatenate %broadcast_in_dim3A_22, %slice3A_328 in 0 : vector<1x128xf32>, vector<1x128xf32> -> vector<2x128xf32>
    %slice3A_330 = vector.extract_strided_slice %mul3A {offsets = [2816, 0], sizes = [128, 128], strides = [1, 1]} : vector<4096x128xf32> to vector<128x128xf32>
    %dot_general3A_331 = arith.constant dense<0.000000e+00> : vector<2x128xf32>
    %dot_general3A_332 = tpu.matmul %concatenate3A_329, %slice3A_330, %dot_general3A_331 {dimension_numbers = #tpu.dot_dimension_numbers<[1], [0], [0], [1], [0, 0, 1, 1], [], []>, transpose_lhs_hint = false} : vector<2x128xf32>, vector<128x128xf32>, vector<2x128xf32> -> vector<2x128xf32>
    %add3A_333 = arith.addf %add3A_319, %dot_general3A_332 : vector<2x128xf32>
    %slice3A_334 = vector.extract_strided_slice %mul3A_14 {offsets = [2816, 0], sizes = [128, 128], strides = [1, 1]} : vector<4096x128xf32> to vector<128x128xf32>
    %dot_general3A_335 = arith.constant dense<0.000000e+00> : vector<2x128xf32>
    %dot_general3A_336 = tpu.matmul %concatenate3A_329, %slice3A_334, %dot_general3A_335 {dimension_numbers = #tpu.dot_dimension_numbers<[1], [0], [0], [1], [0, 0, 1, 1], [], []>, transpose_lhs_hint = false} : vector<2x128xf32>, vector<128x128xf32>, vector<2x128xf32> -> vector<2x128xf32>
    %add3A_337 = arith.addf %add3A_323, %dot_general3A_336 : vector<2x128xf32>
    %slice3A_338 = vector.extract_strided_slice %mul3A_15 {offsets = [2816, 0], sizes = [128, 128], strides = [1, 1]} : vector<4096x128xf32> to vector<128x128xf32>
    %dot_general3A_339 = arith.constant dense<0.000000e+00> : vector<1x128xf32>
    %dot_general3A_340 = tpu.matmul %slice3A_328, %slice3A_338, %dot_general3A_339 {dimension_numbers = #tpu.dot_dimension_numbers<[1], [0], [0], [1], [0, 0, 1, 1], [], []>, transpose_lhs_hint = false} : vector<1x128xf32>, vector<128x128xf32>, vector<1x128xf32> -> vector<1x128xf32>
    %add3A_341 = arith.addf %add3A_327, %dot_general3A_340 : vector<1x128xf32>
    %slice3A_342 = vector.extract_strided_slice %div3A_13 {offsets = [23, 0], sizes = [1, 128], strides = [1, 1]} : vector<32x128xf32> to vector<1x128xf32>
    %concatenate3A_343 = tpu.concatenate %broadcast_in_dim3A_22, %slice3A_342 in 0 : vector<1x128xf32>, vector<1x128xf32> -> vector<2x128xf32>
    %slice3A_344 = vector.extract_strided_slice %mul3A {offsets = [2944, 0], sizes = [128, 128], strides = [1, 1]} : vector<4096x128xf32> to vector<128x128xf32>
    %dot_general3A_345 = arith.constant dense<0.000000e+00> : vector<2x128xf32>
    %dot_general3A_346 = tpu.matmul %concatenate3A_343, %slice3A_344, %dot_general3A_345 {dimension_numbers = #tpu.dot_dimension_numbers<[1], [0], [0], [1], [0, 0, 1, 1], [], []>, transpose_lhs_hint = false} : vector<2x128xf32>, vector<128x128xf32>, vector<2x128xf32> -> vector<2x128xf32>
    %add3A_347 = arith.addf %add3A_333, %dot_general3A_346 : vector<2x128xf32>
    %slice3A_348 = vector.extract_strided_slice %mul3A_14 {offsets = [2944, 0], sizes = [128, 128], strides = [1, 1]} : vector<4096x128xf32> to vector<128x128xf32>
    %dot_general3A_349 = arith.constant dense<0.000000e+00> : vector<2x128xf32>
    %dot_general3A_350 = tpu.matmul %concatenate3A_343, %slice3A_348, %dot_general3A_349 {dimension_numbers = #tpu.dot_dimension_numbers<[1], [0], [0], [1], [0, 0, 1, 1], [], []>, transpose_lhs_hint = false} : vector<2x128xf32>, vector<128x128xf32>, vector<2x128xf32> -> vector<2x128xf32>
    %add3A_351 = arith.addf %add3A_337, %dot_general3A_350 : vector<2x128xf32>
    %slice3A_352 = vector.extract_strided_slice %mul3A_15 {offsets = [2944, 0], sizes = [128, 128], strides = [1, 1]} : vector<4096x128xf32> to vector<128x128xf32>
    %dot_general3A_353 = arith.constant dense<0.000000e+00> : vector<1x128xf32>
    %dot_general3A_354 = tpu.matmul %slice3A_342, %slice3A_352, %dot_general3A_353 {dimension_numbers = #tpu.dot_dimension_numbers<[1], [0], [0], [1], [0, 0, 1, 1], [], []>, transpose_lhs_hint = false} : vector<1x128xf32>, vector<128x128xf32>, vector<1x128xf32> -> vector<1x128xf32>
    %add3A_355 = arith.addf %add3A_341, %dot_general3A_354 : vector<1x128xf32>
    %slice3A_356 = vector.extract_strided_slice %div3A_13 {offsets = [24, 0], sizes = [1, 128], strides = [1, 1]} : vector<32x128xf32> to vector<1x128xf32>
    %concatenate3A_357 = tpu.concatenate %broadcast_in_dim3A_22, %slice3A_356 in 0 : vector<1x128xf32>, vector<1x128xf32> -> vector<2x128xf32>
    %slice3A_358 = vector.extract_strided_slice %mul3A {offsets = [3072, 0], sizes = [128, 128], strides = [1, 1]} : vector<4096x128xf32> to vector<128x128xf32>
    %dot_general3A_359 = arith.constant dense<0.000000e+00> : vector<2x128xf32>
    %dot_general3A_360 = tpu.matmul %concatenate3A_357, %slice3A_358, %dot_general3A_359 {dimension_numbers = #tpu.dot_dimension_numbers<[1], [0], [0], [1], [0, 0, 1, 1], [], []>, transpose_lhs_hint = false} : vector<2x128xf32>, vector<128x128xf32>, vector<2x128xf32> -> vector<2x128xf32>
    %add3A_361 = arith.addf %add3A_347, %dot_general3A_360 : vector<2x128xf32>
    %slice3A_362 = vector.extract_strided_slice %mul3A_14 {offsets = [3072, 0], sizes = [128, 128], strides = [1, 1]} : vector<4096x128xf32> to vector<128x128xf32>
    %dot_general3A_363 = arith.constant dense<0.000000e+00> : vector<2x128xf32>
    %dot_general3A_364 = tpu.matmul %concatenate3A_357, %slice3A_362, %dot_general3A_363 {dimension_numbers = #tpu.dot_dimension_numbers<[1], [0], [0], [1], [0, 0, 1, 1], [], []>, transpose_lhs_hint = false} : vector<2x128xf32>, vector<128x128xf32>, vector<2x128xf32> -> vector<2x128xf32>
    %add3A_365 = arith.addf %add3A_351, %dot_general3A_364 : vector<2x128xf32>
    %slice3A_366 = vector.extract_strided_slice %mul3A_15 {offsets = [3072, 0], sizes = [128, 128], strides = [1, 1]} : vector<4096x128xf32> to vector<128x128xf32>
    %dot_general3A_367 = arith.constant dense<0.000000e+00> : vector<1x128xf32>
    %dot_general3A_368 = tpu.matmul %slice3A_356, %slice3A_366, %dot_general3A_367 {dimension_numbers = #tpu.dot_dimension_numbers<[1], [0], [0], [1], [0, 0, 1, 1], [], []>, transpose_lhs_hint = false} : vector<1x128xf32>, vector<128x128xf32>, vector<1x128xf32> -> vector<1x128xf32>
    %add3A_369 = arith.addf %add3A_355, %dot_general3A_368 : vector<1x128xf32>
    %slice3A_370 = vector.extract_strided_slice %div3A_13 {offsets = [25, 0], sizes = [1, 128], strides = [1, 1]} : vector<32x128xf32> to vector<1x128xf32>
    %concatenate3A_371 = tpu.concatenate %broadcast_in_dim3A_22, %slice3A_370 in 0 : vector<1x128xf32>, vector<1x128xf32> -> vector<2x128xf32>
    %slice3A_372 = vector.extract_strided_slice %mul3A {offsets = [3200, 0], sizes = [128, 128], strides = [1, 1]} : vector<4096x128xf32> to vector<128x128xf32>
    %dot_general3A_373 = arith.constant dense<0.000000e+00> : vector<2x128xf32>
    %dot_general3A_374 = tpu.matmul %concatenate3A_371, %slice3A_372, %dot_general3A_373 {dimension_numbers = #tpu.dot_dimension_numbers<[1], [0], [0], [1], [0, 0, 1, 1], [], []>, transpose_lhs_hint = false} : vector<2x128xf32>, vector<128x128xf32>, vector<2x128xf32> -> vector<2x128xf32>
    %add3A_375 = arith.addf %add3A_361, %dot_general3A_374 : vector<2x128xf32>
    %slice3A_376 = vector.extract_strided_slice %mul3A_14 {offsets = [3200, 0], sizes = [128, 128], strides = [1, 1]} : vector<4096x128xf32> to vector<128x128xf32>
    %dot_general3A_377 = arith.constant dense<0.000000e+00> : vector<2x128xf32>
    %dot_general3A_378 = tpu.matmul %concatenate3A_371, %slice3A_376, %dot_general3A_377 {dimension_numbers = #tpu.dot_dimension_numbers<[1], [0], [0], [1], [0, 0, 1, 1], [], []>, transpose_lhs_hint = false} : vector<2x128xf32>, vector<128x128xf32>, vector<2x128xf32> -> vector<2x128xf32>
    %add3A_379 = arith.addf %add3A_365, %dot_general3A_378 : vector<2x128xf32>
    %slice3A_380 = vector.extract_strided_slice %mul3A_15 {offsets = [3200, 0], sizes = [128, 128], strides = [1, 1]} : vector<4096x128xf32> to vector<128x128xf32>
    %dot_general3A_381 = arith.constant dense<0.000000e+00> : vector<1x128xf32>
    %dot_general3A_382 = tpu.matmul %slice3A_370, %slice3A_380, %dot_general3A_381 {dimension_numbers = #tpu.dot_dimension_numbers<[1], [0], [0], [1], [0, 0, 1, 1], [], []>, transpose_lhs_hint = false} : vector<1x128xf32>, vector<128x128xf32>, vector<1x128xf32> -> vector<1x128xf32>
    %add3A_383 = arith.addf %add3A_369, %dot_general3A_382 : vector<1x128xf32>
    %slice3A_384 = vector.extract_strided_slice %div3A_13 {offsets = [26, 0], sizes = [1, 128], strides = [1, 1]} : vector<32x128xf32> to vector<1x128xf32>
    %concatenate3A_385 = tpu.concatenate %broadcast_in_dim3A_22, %slice3A_384 in 0 : vector<1x128xf32>, vector<1x128xf32> -> vector<2x128xf32>
    %slice3A_386 = vector.extract_strided_slice %mul3A {offsets = [3328, 0], sizes = [128, 128], strides = [1, 1]} : vector<4096x128xf32> to vector<128x128xf32>
    %dot_general3A_387 = arith.constant dense<0.000000e+00> : vector<2x128xf32>
    %dot_general3A_388 = tpu.matmul %concatenate3A_385, %slice3A_386, %dot_general3A_387 {dimension_numbers = #tpu.dot_dimension_numbers<[1], [0], [0], [1], [0, 0, 1, 1], [], []>, transpose_lhs_hint = false} : vector<2x128xf32>, vector<128x128xf32>, vector<2x128xf32> -> vector<2x128xf32>
    %add3A_389 = arith.addf %add3A_375, %dot_general3A_388 : vector<2x128xf32>
    %slice3A_390 = vector.extract_strided_slice %mul3A_14 {offsets = [3328, 0], sizes = [128, 128], strides = [1, 1]} : vector<4096x128xf32> to vector<128x128xf32>
    %dot_general3A_391 = arith.constant dense<0.000000e+00> : vector<2x128xf32>
    %dot_general3A_392 = tpu.matmul %concatenate3A_385, %slice3A_390, %dot_general3A_391 {dimension_numbers = #tpu.dot_dimension_numbers<[1], [0], [0], [1], [0, 0, 1, 1], [], []>, transpose_lhs_hint = false} : vector<2x128xf32>, vector<128x128xf32>, vector<2x128xf32> -> vector<2x128xf32>
    %add3A_393 = arith.addf %add3A_379, %dot_general3A_392 : vector<2x128xf32>
    %slice3A_394 = vector.extract_strided_slice %mul3A_15 {offsets = [3328, 0], sizes = [128, 128], strides = [1, 1]} : vector<4096x128xf32> to vector<128x128xf32>
    %dot_general3A_395 = arith.constant dense<0.000000e+00> : vector<1x128xf32>
    %dot_general3A_396 = tpu.matmul %slice3A_384, %slice3A_394, %dot_general3A_395 {dimension_numbers = #tpu.dot_dimension_numbers<[1], [0], [0], [1], [0, 0, 1, 1], [], []>, transpose_lhs_hint = false} : vector<1x128xf32>, vector<128x128xf32>, vector<1x128xf32> -> vector<1x128xf32>
    %add3A_397 = arith.addf %add3A_383, %dot_general3A_396 : vector<1x128xf32>
    %slice3A_398 = vector.extract_strided_slice %div3A_13 {offsets = [27, 0], sizes = [1, 128], strides = [1, 1]} : vector<32x128xf32> to vector<1x128xf32>
    %concatenate3A_399 = tpu.concatenate %broadcast_in_dim3A_22, %slice3A_398 in 0 : vector<1x128xf32>, vector<1x128xf32> -> vector<2x128xf32>
    %slice3A_400 = vector.extract_strided_slice %mul3A {offsets = [3456, 0], sizes = [128, 128], strides = [1, 1]} : vector<4096x128xf32> to vector<128x128xf32>
    %dot_general3A_401 = arith.constant dense<0.000000e+00> : vector<2x128xf32>
    %dot_general3A_402 = tpu.matmul %concatenate3A_399, %slice3A_400, %dot_general3A_401 {dimension_numbers = #tpu.dot_dimension_numbers<[1], [0], [0], [1], [0, 0, 1, 1], [], []>, transpose_lhs_hint = false} : vector<2x128xf32>, vector<128x128xf32>, vector<2x128xf32> -> vector<2x128xf32>
    %add3A_403 = arith.addf %add3A_389, %dot_general3A_402 : vector<2x128xf32>
    %slice3A_404 = vector.extract_strided_slice %mul3A_14 {offsets = [3456, 0], sizes = [128, 128], strides = [1, 1]} : vector<4096x128xf32> to vector<128x128xf32>
    %dot_general3A_405 = arith.constant dense<0.000000e+00> : vector<2x128xf32>
    %dot_general3A_406 = tpu.matmul %concatenate3A_399, %slice3A_404, %dot_general3A_405 {dimension_numbers = #tpu.dot_dimension_numbers<[1], [0], [0], [1], [0, 0, 1, 1], [], []>, transpose_lhs_hint = false} : vector<2x128xf32>, vector<128x128xf32>, vector<2x128xf32> -> vector<2x128xf32>
    %add3A_407 = arith.addf %add3A_393, %dot_general3A_406 : vector<2x128xf32>
    %slice3A_408 = vector.extract_strided_slice %mul3A_15 {offsets = [3456, 0], sizes = [128, 128], strides = [1, 1]} : vector<4096x128xf32> to vector<128x128xf32>
    %dot_general3A_409 = arith.constant dense<0.000000e+00> : vector<1x128xf32>
    %dot_general3A_410 = tpu.matmul %slice3A_398, %slice3A_408, %dot_general3A_409 {dimension_numbers = #tpu.dot_dimension_numbers<[1], [0], [0], [1], [0, 0, 1, 1], [], []>, transpose_lhs_hint = false} : vector<1x128xf32>, vector<128x128xf32>, vector<1x128xf32> -> vector<1x128xf32>
    %add3A_411 = arith.addf %add3A_397, %dot_general3A_410 : vector<1x128xf32>
    %slice3A_412 = vector.extract_strided_slice %div3A_13 {offsets = [28, 0], sizes = [1, 128], strides = [1, 1]} : vector<32x128xf32> to vector<1x128xf32>
    %concatenate3A_413 = tpu.concatenate %broadcast_in_dim3A_22, %slice3A_412 in 0 : vector<1x128xf32>, vector<1x128xf32> -> vector<2x128xf32>
    %slice3A_414 = vector.extract_strided_slice %mul3A {offsets = [3584, 0], sizes = [128, 128], strides = [1, 1]} : vector<4096x128xf32> to vector<128x128xf32>
    %dot_general3A_415 = arith.constant dense<0.000000e+00> : vector<2x128xf32>
    %dot_general3A_416 = tpu.matmul %concatenate3A_413, %slice3A_414, %dot_general3A_415 {dimension_numbers = #tpu.dot_dimension_numbers<[1], [0], [0], [1], [0, 0, 1, 1], [], []>, transpose_lhs_hint = false} : vector<2x128xf32>, vector<128x128xf32>, vector<2x128xf32> -> vector<2x128xf32>
    %add3A_417 = arith.addf %add3A_403, %dot_general3A_416 : vector<2x128xf32>
    %slice3A_418 = vector.extract_strided_slice %mul3A_14 {offsets = [3584, 0], sizes = [128, 128], strides = [1, 1]} : vector<4096x128xf32> to vector<128x128xf32>
    %dot_general3A_419 = arith.constant dense<0.000000e+00> : vector<2x128xf32>
    %dot_general3A_420 = tpu.matmul %concatenate3A_413, %slice3A_418, %dot_general3A_419 {dimension_numbers = #tpu.dot_dimension_numbers<[1], [0], [0], [1], [0, 0, 1, 1], [], []>, transpose_lhs_hint = false} : vector<2x128xf32>, vector<128x128xf32>, vector<2x128xf32> -> vector<2x128xf32>
    %add3A_421 = arith.addf %add3A_407, %dot_general3A_420 : vector<2x128xf32>
    %slice3A_422 = vector.extract_strided_slice %mul3A_15 {offsets = [3584, 0], sizes = [128, 128], strides = [1, 1]} : vector<4096x128xf32> to vector<128x128xf32>
    %dot_general3A_423 = arith.constant dense<0.000000e+00> : vector<1x128xf32>
    %dot_general3A_424 = tpu.matmul %slice3A_412, %slice3A_422, %dot_general3A_423 {dimension_numbers = #tpu.dot_dimension_numbers<[1], [0], [0], [1], [0, 0, 1, 1], [], []>, transpose_lhs_hint = false} : vector<1x128xf32>, vector<128x128xf32>, vector<1x128xf32> -> vector<1x128xf32>
    %add3A_425 = arith.addf %add3A_411, %dot_general3A_424 : vector<1x128xf32>
    %slice3A_426 = vector.extract_strided_slice %div3A_13 {offsets = [29, 0], sizes = [1, 128], strides = [1, 1]} : vector<32x128xf32> to vector<1x128xf32>
    %concatenate3A_427 = tpu.concatenate %broadcast_in_dim3A_22, %slice3A_426 in 0 : vector<1x128xf32>, vector<1x128xf32> -> vector<2x128xf32>
    %slice3A_428 = vector.extract_strided_slice %mul3A {offsets = [3712, 0], sizes = [128, 128], strides = [1, 1]} : vector<4096x128xf32> to vector<128x128xf32>
    %dot_general3A_429 = arith.constant dense<0.000000e+00> : vector<2x128xf32>
    %dot_general3A_430 = tpu.matmul %concatenate3A_427, %slice3A_428, %dot_general3A_429 {dimension_numbers = #tpu.dot_dimension_numbers<[1], [0], [0], [1], [0, 0, 1, 1], [], []>, transpose_lhs_hint = false} : vector<2x128xf32>, vector<128x128xf32>, vector<2x128xf32> -> vector<2x128xf32>
    %add3A_431 = arith.addf %add3A_417, %dot_general3A_430 : vector<2x128xf32>
    %slice3A_432 = vector.extract_strided_slice %mul3A_14 {offsets = [3712, 0], sizes = [128, 128], strides = [1, 1]} : vector<4096x128xf32> to vector<128x128xf32>
    %dot_general3A_433 = arith.constant dense<0.000000e+00> : vector<2x128xf32>
    %dot_general3A_434 = tpu.matmul %concatenate3A_427, %slice3A_432, %dot_general3A_433 {dimension_numbers = #tpu.dot_dimension_numbers<[1], [0], [0], [1], [0, 0, 1, 1], [], []>, transpose_lhs_hint = false} : vector<2x128xf32>, vector<128x128xf32>, vector<2x128xf32> -> vector<2x128xf32>
    %add3A_435 = arith.addf %add3A_421, %dot_general3A_434 : vector<2x128xf32>
    %slice3A_436 = vector.extract_strided_slice %mul3A_15 {offsets = [3712, 0], sizes = [128, 128], strides = [1, 1]} : vector<4096x128xf32> to vector<128x128xf32>
    %dot_general3A_437 = arith.constant dense<0.000000e+00> : vector<1x128xf32>
    %dot_general3A_438 = tpu.matmul %slice3A_426, %slice3A_436, %dot_general3A_437 {dimension_numbers = #tpu.dot_dimension_numbers<[1], [0], [0], [1], [0, 0, 1, 1], [], []>, transpose_lhs_hint = false} : vector<1x128xf32>, vector<128x128xf32>, vector<1x128xf32> -> vector<1x128xf32>
    %add3A_439 = arith.addf %add3A_425, %dot_general3A_438 : vector<1x128xf32>
    %slice3A_440 = vector.extract_strided_slice %div3A_13 {offsets = [30, 0], sizes = [1, 128], strides = [1, 1]} : vector<32x128xf32> to vector<1x128xf32>
    %concatenate3A_441 = tpu.concatenate %broadcast_in_dim3A_22, %slice3A_440 in 0 : vector<1x128xf32>, vector<1x128xf32> -> vector<2x128xf32>
    %slice3A_442 = vector.extract_strided_slice %mul3A {offsets = [3840, 0], sizes = [128, 128], strides = [1, 1]} : vector<4096x128xf32> to vector<128x128xf32>
    %dot_general3A_443 = arith.constant dense<0.000000e+00> : vector<2x128xf32>
    %dot_general3A_444 = tpu.matmul %concatenate3A_441, %slice3A_442, %dot_general3A_443 {dimension_numbers = #tpu.dot_dimension_numbers<[1], [0], [0], [1], [0, 0, 1, 1], [], []>, transpose_lhs_hint = false} : vector<2x128xf32>, vector<128x128xf32>, vector<2x128xf32> -> vector<2x128xf32>
    %add3A_445 = arith.addf %add3A_431, %dot_general3A_444 : vector<2x128xf32>
    %slice3A_446 = vector.extract_strided_slice %mul3A_14 {offsets = [3840, 0], sizes = [128, 128], strides = [1, 1]} : vector<4096x128xf32> to vector<128x128xf32>
    %dot_general3A_447 = arith.constant dense<0.000000e+00> : vector<2x128xf32>
    %dot_general3A_448 = tpu.matmul %concatenate3A_441, %slice3A_446, %dot_general3A_447 {dimension_numbers = #tpu.dot_dimension_numbers<[1], [0], [0], [1], [0, 0, 1, 1], [], []>, transpose_lhs_hint = false} : vector<2x128xf32>, vector<128x128xf32>, vector<2x128xf32> -> vector<2x128xf32>
    %add3A_449 = arith.addf %add3A_435, %dot_general3A_448 : vector<2x128xf32>
    %slice3A_450 = vector.extract_strided_slice %mul3A_15 {offsets = [3840, 0], sizes = [128, 128], strides = [1, 1]} : vector<4096x128xf32> to vector<128x128xf32>
    %dot_general3A_451 = arith.constant dense<0.000000e+00> : vector<1x128xf32>
    %dot_general3A_452 = tpu.matmul %slice3A_440, %slice3A_450, %dot_general3A_451 {dimension_numbers = #tpu.dot_dimension_numbers<[1], [0], [0], [1], [0, 0, 1, 1], [], []>, transpose_lhs_hint = false} : vector<1x128xf32>, vector<128x128xf32>, vector<1x128xf32> -> vector<1x128xf32>
    %add3A_453 = arith.addf %add3A_439, %dot_general3A_452 : vector<1x128xf32>
    %slice3A_454 = vector.extract_strided_slice %div3A_13 {offsets = [31, 0], sizes = [1, 128], strides = [1, 1]} : vector<32x128xf32> to vector<1x128xf32>
    %concatenate3A_455 = tpu.concatenate %broadcast_in_dim3A_22, %slice3A_454 in 0 : vector<1x128xf32>, vector<1x128xf32> -> vector<2x128xf32>
    %slice3A_456 = vector.extract_strided_slice %mul3A {offsets = [3968, 0], sizes = [128, 128], strides = [1, 1]} : vector<4096x128xf32> to vector<128x128xf32>
    %dot_general3A_457 = arith.constant dense<0.000000e+00> : vector<2x128xf32>
    %dot_general3A_458 = tpu.matmul %concatenate3A_455, %slice3A_456, %dot_general3A_457 {dimension_numbers = #tpu.dot_dimension_numbers<[1], [0], [0], [1], [0, 0, 1, 1], [], []>, transpose_lhs_hint = false} : vector<2x128xf32>, vector<128x128xf32>, vector<2x128xf32> -> vector<2x128xf32>
    %add3A_459 = arith.addf %add3A_445, %dot_general3A_458 : vector<2x128xf32>
    %slice3A_460 = vector.extract_strided_slice %mul3A_14 {offsets = [3968, 0], sizes = [128, 128], strides = [1, 1]} : vector<4096x128xf32> to vector<128x128xf32>
    %dot_general3A_461 = arith.constant dense<0.000000e+00> : vector<2x128xf32>
    %dot_general3A_462 = tpu.matmul %concatenate3A_455, %slice3A_460, %dot_general3A_461 {dimension_numbers = #tpu.dot_dimension_numbers<[1], [0], [0], [1], [0, 0, 1, 1], [], []>, transpose_lhs_hint = false} : vector<2x128xf32>, vector<128x128xf32>, vector<2x128xf32> -> vector<2x128xf32>
    %add3A_463 = arith.addf %add3A_449, %dot_general3A_462 : vector<2x128xf32>
    %slice3A_464 = vector.extract_strided_slice %mul3A_15 {offsets = [3968, 0], sizes = [128, 128], strides = [1, 1]} : vector<4096x128xf32> to vector<128x128xf32>
    %dot_general3A_465 = arith.constant dense<0.000000e+00> : vector<1x128xf32>
    %dot_general3A_466 = tpu.matmul %slice3A_454, %slice3A_464, %dot_general3A_465 {dimension_numbers = #tpu.dot_dimension_numbers<[1], [0], [0], [1], [0, 0, 1, 1], [], []>, transpose_lhs_hint = false} : vector<1x128xf32>, vector<128x128xf32>, vector<1x128xf32> -> vector<1x128xf32>
    %add3A_467 = arith.addf %add3A_453, %dot_general3A_466 : vector<1x128xf32>
    %get3A_468 = arith.constant 0 : index
    %get3A_469 = arith.constant 0 : index
    %get3A_470 = vector.load %arg5[%get3A_468, %get3A_469] : memref<1x128xf32, #tpu.memory_space<vmem>>, vector<1x128xf32>
    %slice3A_471 = vector.extract_strided_slice %add3A_459 {offsets = [0, 0], sizes = [1, 128], strides = [1, 1]} : vector<2x128xf32> to vector<1x128xf32>
    %add3A_472 = arith.addf %get3A_470, %slice3A_471 : vector<1x128xf32>
    %swap3A = arith.constant 0 : index
    %swap3A_473 = arith.constant 0 : index
    %swap3A_474 = vector.load %arg5[%swap3A, %swap3A_473] : memref<1x128xf32, #tpu.memory_space<vmem>>, vector<1x128xf32>
    tpu.vector_store %arg5[%swap3A, %swap3A_473], %add3A_472 {strides = array<i32>} : memref<1x128xf32, #tpu.memory_space<vmem>>, vector<1x128xf32>,
    %get3A_475 = arith.constant 0 : index
    %get3A_476 = arith.constant 0 : index
    %get3A_477 = vector.load %arg7[%get3A_475, %get3A_476] : memref<1x128xf32, #tpu.memory_space<vmem>>, vector<1x128xf32>
    %slice3A_478 = vector.extract_strided_slice %add3A_459 {offsets = [1, 0], sizes = [1, 128], strides = [1, 1]} : vector<2x128xf32> to vector<1x128xf32>
    %add3A_479 = arith.addf %get3A_477, %slice3A_478 : vector<1x128xf32>
    %swap3A_480 = arith.constant 0 : index
    %swap3A_481 = arith.constant 0 : index
    %swap3A_482 = vector.load %arg7[%swap3A_480, %swap3A_481] : memref<1x128xf32, #tpu.memory_space<vmem>>, vector<1x128xf32>
    tpu.vector_store %arg7[%swap3A_480, %swap3A_481], %add3A_479 {strides = array<i32>} : memref<1x128xf32, #tpu.memory_space<vmem>>, vector<1x128xf32>,
    %get3A_483 = arith.constant 0 : index
    %get3A_484 = arith.constant 0 : index
    %get3A_485 = vector.load %arg6[%get3A_483, %get3A_484] : memref<1x128xf32, #tpu.memory_space<vmem>>, vector<1x128xf32>
    %slice3A_486 = vector.extract_strided_slice %add3A_463 {offsets = [0, 0], sizes = [1, 128], strides = [1, 1]} : vector<2x128xf32> to vector<1x128xf32>
    %add3A_487 = arith.addf %get3A_485, %slice3A_486 : vector<1x128xf32>
    %swap3A_488 = arith.constant 0 : index
    %swap3A_489 = arith.constant 0 : index
    %swap3A_490 = vector.load %arg6[%swap3A_488, %swap3A_489] : memref<1x128xf32, #tpu.memory_space<vmem>>, vector<1x128xf32>
    tpu.vector_store %arg6[%swap3A_488, %swap3A_489], %add3A_487 {strides = array<i32>} : memref<1x128xf32, #tpu.memory_space<vmem>>, vector<1x128xf32>,
    %get3A_491 = arith.constant 0 : index
    %get3A_492 = arith.constant 0 : index
    %get3A_493 = vector.load %arg8[%get3A_491, %get3A_492] : memref<1x128xf32, #tpu.memory_space<vmem>>, vector<1x128xf32>
    %slice3A_494 = vector.extract_strided_slice %add3A_463 {offsets = [1, 0], sizes = [1, 128], strides = [1, 1]} : vector<2x128xf32> to vector<1x128xf32>
    %add3A_495 = arith.addf %get3A_493, %slice3A_494 : vector<1x128xf32>
    %swap3A_496 = arith.constant 0 : index
    %swap3A_497 = arith.constant 0 : index
    %swap3A_498 = vector.load %arg8[%swap3A_496, %swap3A_497] : memref<1x128xf32, #tpu.memory_space<vmem>>, vector<1x128xf32>
    tpu.vector_store %arg8[%swap3A_496, %swap3A_497], %add3A_495 {strides = array<i32>} : memref<1x128xf32, #tpu.memory_space<vmem>>, vector<1x128xf32>,
    %get3A_499 = arith.constant 0 : index
    %get3A_500 = arith.constant 0 : index
    %get3A_501 = vector.load %arg9[%get3A_499, %get3A_500] : memref<1x128xf32, #tpu.memory_space<vmem>>, vector<1x128xf32>
    %add3A_502 = arith.addf %get3A_501, %add3A_467 : vector<1x128xf32>
    %swap3A_503 = arith.constant 0 : index
    %swap3A_504 = arith.constant 0 : index
    %swap3A_505 = vector.load %arg9[%swap3A_503, %swap3A_504] : memref<1x128xf32, #tpu.memory_space<vmem>>, vector<1x128xf32>
    tpu.vector_store %arg9[%swap3A_503, %swap3A_504], %add3A_502 {strides = array<i32>} : memref<1x128xf32, #tpu.memory_space<vmem>>, vector<1x128xf32>,
    %eq3A_506 = arith.constant 3 : i32
    %eq3A_507 = arith.cmpi eq, %arg0, %eq3A_506 : i32
    %convert_element_type3A_508 = arith.extui %eq3A_507 : i1 to i32
    %cond3A_509 = arith.constant 0 : i32
    %cond3A_510 = arith.cmpi ne, %convert_element_type3A_508, %cond3A_509 : i32
    scf.if %cond3A_510 {
      %get3A_511 = arith.constant 0 : index
      %get3A_512 = arith.constant 0 : index
      %get3A_513 = vector.load %arg5[%get3A_511, %get3A_512] : memref<1x128xf32, #tpu.memory_space<vmem>>, vector<1x128xf32>
      %sqrt3A = math.sqrt %get3A_513 : vector<1x128xf32>
      %get3A_514 = arith.constant 0 : index
      %get3A_515 = arith.constant 0 : index
      %get3A_516 = vector.load %arg6[%get3A_514, %get3A_515] : memref<1x128xf32, #tpu.memory_space<vmem>>, vector<1x128xf32>
      %sqrt3A_517 = math.sqrt %get3A_516 : vector<1x128xf32>
      %gt3A = arith.constant 9.99999974E-6 : f32
      %gt3A_518 = vector.broadcast %gt3A : f32 to vector<1x128xf32>
      %gt3A_519 = arith.cmpf ogt, %sqrt3A, %gt3A_518 : vector<1x128xf32>
      %max3A = arith.constant 1.000000e-30 : f32
      %max3A_520 = vector.broadcast %max3A : f32 to vector<1x128xf32>
      %max3A_521 = arith.maximumf %sqrt3A, %max3A_520 : vector<1x128xf32>
      %div3A_522 = arith.constant 9.99999974E-6 : f32
      %div3A_523 = vector.broadcast %div3A_522 : f32 to vector<1x128xf32>
      %div3A_524 = arith.divf %div3A_523, %max3A_521 : vector<1x128xf32>
      %jit3A = arith.constant 1.000000e+00 : f32
      %broadcast_in_dim3A_525 = vector.broadcast %jit3A : f32 to vector<1x128xf32>
      %select_n3A = arith.select %gt3A_519, %div3A_524, %broadcast_in_dim3A_525 : vector<1x128xi1>, vector<1x128xf32>
      %mul3A_526 = arith.constant 1.000000e+05 : f32
      %mul3A_527 = vector.broadcast %mul3A_526 : f32 to vector<1x128xf32>
      %mul3A_528 = arith.mulf %select_n3A, %mul3A_527 : vector<1x128xf32>
      %gt3A_529 = arith.constant 9.99999974E-6 : f32
      %gt3A_530 = vector.broadcast %gt3A_529 : f32 to vector<1x128xf32>
      %gt3A_531 = arith.cmpf ogt, %sqrt3A_517, %gt3A_530 : vector<1x128xf32>
      %max3A_532 = arith.constant 1.000000e-30 : f32
      %max3A_533 = vector.broadcast %max3A_532 : f32 to vector<1x128xf32>
      %max3A_534 = arith.maximumf %sqrt3A_517, %max3A_533 : vector<1x128xf32>
      %div3A_535 = arith.constant 9.99999974E-6 : f32
      %div3A_536 = vector.broadcast %div3A_535 : f32 to vector<1x128xf32>
      %div3A_537 = arith.divf %div3A_536, %max3A_534 : vector<1x128xf32>
      %jit3A_538 = arith.constant 1.000000e+00 : f32
      %broadcast_in_dim3A_539 = vector.broadcast %jit3A_538 : f32 to vector<1x128xf32>
      %select_n3A_540 = arith.select %gt3A_531, %div3A_537, %broadcast_in_dim3A_539 : vector<1x128xi1>, vector<1x128xf32>
      %mul3A_541 = arith.constant 1.000000e+05 : f32
      %mul3A_542 = vector.broadcast %mul3A_541 : f32 to vector<1x128xf32>
      %mul3A_543 = arith.mulf %select_n3A_540, %mul3A_542 : vector<1x128xf32>
      %mul3A_544 = arith.mulf %mul3A_528, %mul3A_528 : vector<1x128xf32>
      %get3A_545 = arith.constant 0 : index
      %get3A_546 = arith.constant 0 : index
      %get3A_547 = vector.load %arg7[%get3A_545, %get3A_546] : memref<1x128xf32, #tpu.memory_space<vmem>>, vector<1x128xf32>
      %mul3A_548 = arith.mulf %mul3A_544, %get3A_547 : vector<1x128xf32>
      %mul3A_549 = arith.mulf %mul3A_543, %mul3A_543 : vector<1x128xf32>
      %get3A_550 = arith.constant 0 : index
      %get3A_551 = arith.constant 0 : index
      %get3A_552 = vector.load %arg8[%get3A_550, %get3A_551] : memref<1x128xf32, #tpu.memory_space<vmem>>, vector<1x128xf32>
      %mul3A_553 = arith.mulf %mul3A_549, %get3A_552 : vector<1x128xf32>
      %add3A_554 = arith.addf %mul3A_548, %mul3A_553 : vector<1x128xf32>
      %mul3A_555 = arith.mulf %mul3A_528, %mul3A_543 : vector<1x128xf32>
      %mul3A_556 = arith.constant 2.000000e+00 : f32
      %mul3A_557 = vector.broadcast %mul3A_556 : f32 to vector<1x128xf32>
      %mul3A_558 = arith.mulf %mul3A_557, %mul3A_555 : vector<1x128xf32>
      %get3A_559 = arith.constant 0 : index
      %get3A_560 = arith.constant 0 : index
      %get3A_561 = vector.load %arg9[%get3A_559, %get3A_560] : memref<1x128xf32, #tpu.memory_space<vmem>>, vector<1x128xf32>
      %mul3A_562 = arith.mulf %mul3A_558, %get3A_561 : vector<1x128xf32>
      %sub3A = arith.subf %add3A_554, %mul3A_562 : vector<1x128xf32>
      %reduce_sum3A = arith.constant dense<0.000000e+00> : vector<1xf32>
      %reduce_sum3A_563 = vector.multi_reduction <add>, %sub3A, %reduce_sum3A [1] : vector<1x128xf32> to vector<1xf32>
      %broadcast_in_dim3A_564 = vector.shape_cast %reduce_sum3A_563 : vector<1xf32> to vector<1x1xf32>
      %mul3A_565 = arith.constant 5.000000e-01 : f32
      %mul3A_566 = vector.broadcast %mul3A_565 : f32 to vector<1x1xf32>
      %mul3A_567 = arith.mulf %mul3A_566, %broadcast_in_dim3A_564 : vector<1x1xf32>
      %swap3A_568 = arith.constant 0 : index
      %swap3A_569 = arith.constant 0 : index
      %swap3A_570 = vector.load %arg4[%swap3A_568, %swap3A_569] : memref<1x1xf32, #tpu.memory_space<vmem>>, vector<1x1xf32>
      tpu.vector_store %arg4[%swap3A_568, %swap3A_569], %mul3A_567 {strides = array<i32>} : memref<1x1xf32, #tpu.memory_space<vmem>>, vector<1x1xf32>,
    } else {
    }
    return
  }
  func.func @transform_0(%arg0: i32) -> (i32, i32) {
    %c0_i32 = arith.constant 0 : i32
    %c0_i32_0 = arith.constant 0 : i32
    return %arg0, %c0_i32 : i32, i32
  }
  func.func @transform_1(%arg0: i32) -> (i32, i32) {
    %c0_i32 = arith.constant 0 : i32
    %c0_i32_0 = arith.constant 0 : i32
    return %arg0, %c0_i32 : i32, i32
  }
  func.func @transform_2(%arg0: i32) -> (i32, i32) {
    %c0_i32 = arith.constant 0 : i32
    %c0_i32_0 = arith.constant 0 : i32
    return %arg0, %c0_i32 : i32, i32
  }
  func.func @transform_3(%arg0: i32) -> (i32, i32) {
    %c0_i32 = arith.constant 0 : i32
    %c0_i32_0 = arith.constant 0 : i32
    %c0_i32_1 = arith.constant 0 : i32
    return %c0_i32, %c0_i32_0 : i32, i32
  }
}

</mosaic_0001>

<sc_bundles>
// kernel: kernel.4.cloned.1.call-start
scs
__scs_entry_jumppad:
0x0: {  	(pc) =	sbr.rel $0x88, $3  }
0x1: {  	(tag) =	ssettag $0x0;
	lr =	simm.s32 $0x1  }
0x2: {  	[smem:$0x3F9E] =	sst lr;
	_ =	strace $0xD0000000  }
0x3: {  	_ = 	snop  }
0x4: {  	_ = 	snop  }
0x5: {  	_ = 	snop  }
0x6: {  	_ = 	snop  }
0x7: {  	_ = 	snop  }
__scs_overlays_trampoline_lowered:
0x8: {  	[smem:$0x3FAD] =	sst s0  }
0x9: {  	[smem:$0x3FAE] =	sst s1  }
0xa: {  	[smem:$0x3FAF] =	sst s2  }
0xb: {  	[smem:$0x3FB0] =	sst s3  }
0xc: {  	[smem:$0x3FB1] =	sst s4  }
0xd: {  	[smem:$0x3FB2] =	sst s5  }
0xe: {  	[smem:$0x3FB3] =	sst s6  }
0xf: {  	[smem:$0x3FB4] =	sst s7  }
0x10: {  	[smem:$0x3FB5] =	sst s8  }
0x11: {  	[smem:$0x3FB6] =	sst s9;
	s0 =	simm.s32 @!p0 $0x0  }
0x12: {  	s1 =	sld [smem:$0x3F9C];
	s0 =	simm.s32 @p0 $0x1  }
0x13: {  	[smem:$0x3FB7] =	sst s0;
	s0 =	simm.s32 @!p1 $0x0  }
0x14: {  	s2 =	sld [smem:$0x3F9B];
	s0 =	simm.s32 @p1 $0x1  }
0x15: {  	[smem:$0x3FB8] =	sst s0;
	s0 =	simm.s32 @!p2 $0x0  }
0x16: {  	s3 =	sld [smem:$0x3FDB];
	s0 =	simm.s32 @p2 $0x1  }
0x17: {  	s4 =	simm.s32 $0x1BF5;
	[smem:$0x3FBA] =	sst s0  }
0x18: {  	s0 =	sld [smem:$0x3F9D];
	_ =	swait.ge [sflag:s4], $0x0  }
0x19: {  	s7 =	sld [smem:$0x3F9E]  }
0x1a: {  	s8 =	sadd.s32 $0xFFFFE003, lr  }
0x1b: {  	s9 =	sadd.s32 $0xFFFFFEF7, lr;
	s5 =	simm.s32 $0xFFFFFFFF;
	p2 =	slt.u32 s8, $0xFFFFF086  }
0x1c: {  	p1 =	slt.u32 s9, $0xF7A;
	s5 =	simm.s32 @!p2 $0x0  }
0x1d: {  	s5 =	simm.s32 @p1 $0x1;
	p0 =	seq.s32 s7, s2  }
0x1e: {  	s7 =	smul.u32 @!p0 $0xF7A, s2;
	p2 =	seq.s32 @!p0 s5, $0x0  }
0x1f: {  	s9 =	smul.u32 $0xF7A, s1;
	s8 =	simm.s32 @!p0 $0x1BF5;
	p2 =	por !p2, p0  }
0x20: {  	[sflag:s8] =	ssyncset.s32 @!p0 $0xFFFFF086;
	s6 =	sadd.s32 @!p0 s3, s7;
	s7 =	simm.s32 @!p0 $0x108  }
0x21: {  	s3 =	sadd.s32 s3, s9;
	s6 =	sadd.s32 @!p0 $0x88, s6;
	s7 =	simm.s32 @p2 $0x1082  }
0x22: {  	[simem:s7], [sflag:s8] =	dma.local @!p0 [hbm:s6], $0xF7A  }
0x23: {  	s9 =	sor.u32 $0xD0000000, s2;
	s6 =	simm.s32 $0x108;
	_ =	swait.ge @!p0 [sflag:s8], $0x0  }
0x24: {  	s3 =	sadd.s32 $0x88, s3;
	s6 =	simm.s32 @!p1 $0x1082;
	[sflag:s4] =	ssyncset.s32 $0xFFFFF086  }
0x25: {  	[simem:s6], [sflag:s4] =	dma.local [hbm:s3], $0xF7A  }
0x26: {  	[smem:$0x3F9E] =	sst s1;
	(tag) =	ssettag s2;
	_ =	strace s9  }
0x27: {  	s1 =	sld [smem:$0x3FAE]  }
0x28: {  	s2 =	sld [smem:$0x3FAF]  }
0x29: {  	s4 =	sld [smem:$0x3FB1]  }
0x2a: {  	p0 =	seq.s32 s5, $0x0;
	s5 =	sld [smem:$0x3FB2]  }
0x2b: {  	s6 =	sld [smem:$0x3FB3]  }
0x2c: {  	s7 =	sld [smem:$0x3FB4]  }
0x2d: {  	s3 =	simm.s32 $0x108;
	s8 =	sld [smem:$0x3FB5]  }
0x2e: {  	s3 =	simm.s32 @!p0 $0x1082;
	s9 =	sld [smem:$0x3FB6]  }
0x2f: {  	lr =	sadd.s32 s0, s3;
	s0 =	sld [smem:$0x3FAD]  }
0x30: {  	s3 =	sld [smem:$0x3FB0]  }
0x31: {  	[smem:$0x3FB9] =	sst s10  }
0x32: {  	s10 =	sld [smem:$0x3FB7];
	_ =	sdelay $0x3  }
0x33: {  	p0 =	seq.s32 s10, $0x1;
	s10 =	sld [smem:$0x3FB9];
	_ =	sdelay $0x3  }
0x34: {  	[smem:$0x3FB9] =	sst s10  }
0x35: {  	s10 =	sld [smem:$0x3FB8];
	_ =	sdelay $0x3  }
0x36: {  	p1 =	seq.s32 s10, $0x1;
	s10 =	sld [smem:$0x3FB9];
	_ =	sdelay $0x3  }
0x37: {  	[smem:$0x3FB9] =	sst s10  }
0x38: {  	s10 =	sld [smem:$0x3FBA]  }
0x39: {  	_ = 	snop;
	(pc) =	sbr.ind lr, $3  }
0x3a: {  	_ = 	snop  }
0x3b: {  	_ = 	snop  }
0x3c: {  	p2 =	seq.s32 s10, $0x1;
	s10 =	sld [smem:$0x3FB9]  }
0x3d: {  	_ =	shalt  }
0x3e: {  	_ =	shalt  }
0x3f: {  	_ =	shalt  }
0x40: {  	_ =	shalt  }
0x41: {  	_ =	shalt  }
0x42: {  	_ =	shalt  }
0x43: {  	_ =	shalt  }
0x44: {  	_ =	shalt  }
0x45: {  	_ =	shalt  }
0x46: {  	_ =	shalt  }
0x47: {  	_ =	shalt  }
0x48: {  	_ =	shalt  }
0x49: {  	_ =	shalt  }
0x4a: {  	_ =	shalt  }
0x4b: {  	_ =	shalt  }
0x4c: {  	_ =	shalt  }
0x4d: {  	_ =	shalt  }
0x4e: {  	_ =	shalt  }
0x4f: {  	_ =	shalt  }
0x50: {  	_ =	shalt  }
0x51: {  	_ =	shalt  }
0x52: {  	_ =	shalt  }
0x53: {  	_ =	shalt  }
0x54: {  	_ =	shalt  }
0x55: {  	_ =	shalt  }
0x56: {  	_ =	shalt  }
0x57: {  	_ =	shalt  }
0x58: {  	_ =	shalt  }
0x59: {  	_ =	shalt  }
0x5a: {  	_ =	shalt  }
0x5b: {  	_ =	shalt  }
0x5c: {  	_ =	shalt  }
0x5d: {  	_ =	shalt  }
0x5e: {  	_ =	shalt  }
0x5f: {  	_ =	shalt  }
0x60: {  	_ =	shalt  }
0x61: {  	_ =	shalt  }
0x62: {  	_ =	shalt  }
0x63: {  	_ =	shalt  }
0x64: {  	_ =	shalt  }
0x65: {  	_ =	shalt  }
0x66: {  	_ =	shalt  }
0x67: {  	_ =	shalt  }
0x68: {  	_ =	shalt  }
0x69: {  	_ =	shalt  }
0x6a: {  	_ =	shalt  }
0x6b: {  	_ =	shalt  }
0x6c: {  	_ =	shalt  }
0x6d: {  	_ =	shalt  }
0x6e: {  	_ =	shalt  }
0x6f: {  	_ =	shalt  }
0x70: {  	_ =	shalt  }
0x71: {  	_ =	shalt  }
0x72: {  	_ =	shalt  }
0x73: {  	_ =	shalt  }
0x74: {  	_ =	shalt  }
0x75: {  	_ =	shalt  }
0x76: {  	_ =	shalt  }
0x77: {  	_ =	shalt  }
0x78: {  	_ =	shalt  }
0x79: {  	_ =	shalt  }
0x7a: {  	_ =	shalt  }
0x7b: {  	_ =	shalt  }
0x7c: {  	_ =	shalt  }
0x7d: {  	_ =	shalt  }
0x7e: {  	_ =	shalt  }
0x7f: {  	_ =	shalt  }
0x80: {  	_ =	shalt  }
0x81: {  	_ =	shalt  }
0x82: {  	_ =	shalt  }
0x83: {  	_ =	shalt  }
0x84: {  	_ =	shalt  }
0x85: {  	_ =	shalt  }
0x86: {  	_ =	shalt  }
0x87: {  	_ =	shalt  }
.Lfunc_end0:
.L_simem_size_0:
called_computation_lowered:
.L_overlay_start_0:
0x88: {  	s2 =	sld [smem:$0x3FD9]  }
0x89: {  	s3 =	sld [smem:$0x3FFE];
	_ =	sdelay $0x1  }
0x8a: {  	s1 =	srdreg.scid  }
0x8b: {  	s0 =	sand.u32 $0x1, s1  }
0x8c: {  	s17 =	sshll.u32 s0, $0xA;
	s2 =	sadd.s32 s3, s2  }
0x8d: {  	s2 =	sadd.s32 s2, s17  }
0x8e: {  	[smem:$0x3FC5] =	sst s2  }
0x8f: {  	_ = 	snop  }
0x90: {  	s2 =	sld [smem:$0x3FC9]  }
0x91: {  	s18 =	sld [smem:$0x3FC7];
	(tm) =	ssettm $0x1  }
0x92: {  	s4 =	sld [smem:$0x3FFB];
	_ =	sdelay $0x3  }
0x93: {  	_ =	strace s4  }
0x94: {  	s4 =	sld [smem:$0x3FFC];
	_ =	sdelay $0x3  }
0x95: {  	_ =	strace s4  }
0x96: {  	s4 =	sld [smem:$0x3FFD];
	_ =	sdelay $0x3  }
0x97: {  	_ =	strace s4  }
0x98: {  	_ =	strace $0x8FFFFFFF  }
0x99: {  	s19 =	sld [smem:$0x3FDB];
	_ =	sdelay $0x1  }
0x9a: {  	s5 =	simm.s32 $_scs_section_size  }
0x9b: {  	s6 =	simm.s32 $_size__tile_overlayer_lowered;
	s7 =	simm.s32 $_tile_overlayer_lowered  }
0x9c: {  	s22 =	simm.s32 $0x1BFF;
	s21 =	sshll.u32 s7, $0x1;
	s4 =	sadd.s32 s5, s19  }
0x9d: {  	s8 =	simm.s32 $0x0;
	s20 =	sshll.u32 s6, $0x1;
	s6 =	sadd.s32 s21, s4  }
0x9e: {  	[timem:s8], [sflag:s22] =	dma.local [hbm:s6], s20  }
0x9f: {  	_ =	swait.ge [sflag:s22], s20  }
0xa0: {  	s5 =	ssub.s32 $0x0, s20;
	[sflag:s22] =	ssyncset.done $0x0  }
0xa1: {  	[sflag:s22] =	ssyncadd.s32 s5;
	_ =	sdelay $0x1  }
0xa2: {  	s23 =	simm.s32 $0x1B8B  }
0xa3: {  	_ =	swait.ge [sflag:s23], $0x1  }
0xa4: {  	[sflag:s23] =	ssyncset.done $0x0  }
0xa5: {  	s25 =	simm.s32 $0x1B8E;
	s24 =	sld [smem:$0x3FFE];
	[sflag:s23] =	ssyncadd.s32 $0xFFFFFFFF  }
0xa6: {  	s26 =	simm.s32 $execute0_lowered;
	[smem:$0x3FD2] =	sst s25  }
0xa7: {  	s6 =	sshll.u32 s26, $0x1;
	_ =	strace $0x80000046;
	[dreg:$0x1] =	wrdreg $0xFFFFFFFF  }
0xa8: {  	s28 =	simm.s32 $_size_execute0_lowered;
	s4 =	sadd.s32 s4, s6;
	[dreg:$0x0] =	wrdreg $0x0  }
0xa9: {  	s6 =	sshll.u32 s28, $0x1;
	[dreg:$0x2] =	wrdreg s4  }
0xaa: {  	[dreg:$0x3] =	wrdreg s6  }
0xab: {  	[dreg:$0x4] =	wrdreg $0xC0  }
0xac: {  	_ =	task [dreg:s8], $0x5FFFF  }
0xad: {  	[dreg:$0x1] =	wrdreg $0xFFFFFFFF  }
0xae: {  	[dreg:$0x0] =	wrdreg $0x60  }
0xaf: {  	[dreg:$0x2] =	wrdreg s2  }
0xb0: {  	[dreg:$0x3] =	wrdreg s18  }
0xb1: {  	[dreg:$0x4] =	wrdreg s24  }
0xb2: {  	[dreg:$0x5] =	wrdreg $0x109000  }
0xb3: {  	[dreg:$0x6] =	wrdreg $0x9  }
0xb4: {  	_ =	task.clear_ibuf [dreg:s8], $0x7FFFF;
	_ =	strace $0x90000046  }
0xb5: {  	s29 =	simm.s32 $0x9;
	_ =	strace $0x80000048  }
0xb6: {  	_ =	swait.ge [sflag:s29], $0x1  }
0xb7: {  	[sflag:s29] =	ssyncadd.s32 $0xFFFFFFFF  }
0xb8: {  	_ =	strace $0x90000048  }
0xb9: {  	_ =	sfence  }
0xba: {  	s30 =	sld [smem:$0x0];
	_ =	sdelay $0x2  }
0xbb: {  	s31 =	sshll.u32 s1, $0xD;
	s1 =	sshrl.u32 s1, $0x2  }
0xbc: {  	s3 =	sand.u32 $0x4000, s31;
	s1 =	sadd.s32 s1, s30  }
0xbd: {  	s0 =	sor.u32 s3, s0;
	s1 =	sshll.u32 s1, $0x11  }
0xbe: {  	s0 =	sor.u32 s1, s0  }
0xbf: {  	s0 =	sadd.s32 $0x8F2B, s0  }
0xc0: {  	[sflag:s0] =	ssyncadd.remote.s32 $0x1  }
0xc1: {  	_ =	sfence.sel $0xFFFF  }
0xc2: {  	[dreg:$0x0] =	wrdreg $0xFFFFFFFF;
	(pc) =	sbr.abs _section_cstart, $3  }
0xc3: {  	[dreg:$0x1] =	wrdreg $0xFFFFFFFF  }
0xc4: {  	_ =	task.clear_ibuf [dreg:s8], $0x2FFFF;
	_ =	strace $0x9FFFFFFF  }
0xc5: {  	(tm) =	ssettm $0x7FFFFFFF  }
tec
execute0_lowered:
.L_overlay_start_1:
0x0: {  	(tag) =	ssettag $0x1  }
0x1: {  	s1 =	rddreg [dreg:$0x0];
	s0 =	srdreg.scid  }
0x2: {  	s2 =	rddreg [dreg:$0x1];
	s9 =	stileid.u32;
	s0 =	sand.u32 $0x1, s0  }
0x3: {  	s6 =	rddreg [dreg:$0x2];
	s5 =	sshll.u32 s9, $0x7;
	s7 =	sshll.u32 s0, $0x6  }
0x4: {  	s3 =	rddreg [dreg:$0x3];
	s4 =	simm.s32 $0x0;
	s7 =	sor.u32 s7, s5  }
0x5: {  	[smem:$0x7FF] =	sst s4;
	s8 =	sadd.s32 s1, s7  }
0x6: {  	_ =	strace $0x80000047;
	s1 =	sadd.s32 s1, s5;
	[dreg:$0x5] =	wrdreg s8  }
0x7: {  	[dreg:$0x6] =	wrdreg s1  }
0x8: {  	s5 =	simm.s32 $0x400;
	s8 =	rddreg [dreg:$0x5]  }
0x9: {  	[tilespmem:s5], [sflag:$0x3] =	stream.linear.gather [hbm4b:s8+s4], $0x200, $0x38;
	[tilespmem:$0x12200] =	vst v63  }
0xa: {  	s1 =	rddreg [dreg:$0x6]  }
0xb: {  	v0 =	vimm.f32 $0.0e+00;
	[tilespmem:s4], [sflag:$0x3] =	stream.linear.gather [hbm4b:s1+s4], $0x400, $0x38;
	[tilespmem:$0x12200] =	vst v63  }
0xc: {  	v1 =	vimm.f32 $1.000000000e+00;
	[tilespmem:$0x6F0] =	vst v0  }
0xd: {  	[tilespmem:$0x670] =	vst v1  }
0xe: {  	[tilespmem:$0x6E0] =	vst v0  }
0xf: {  	[tilespmem:$0x660] =	vst v1  }
0x10: {  	[tilespmem:$0x6D0] =	vst v0  }
0x11: {  	[tilespmem:$0x650] =	vst v1  }
0x12: {  	[tilespmem:$0x6C0] =	vst v0  }
0x13: {  	s20 =	sshll.u32 s9, $0xE;
	s21 =	sshll.u32 s0, $0xD;
	[tilespmem:$0x640] =	vst v1  }
0x14: {  	s1 =	sor.u32 s21, s20;
	[tilespmem:$0x6B0] =	vst v0  }
0x15: {  	s1 =	sadd.s32 s1, s6;
	[tilespmem:$0x630] =	vst v1  }
0x16: {  	[tilespmem:$0x6A0] =	vst v0;
	s22 =	sadd.s32 $0xE00, s1  }
0x17: {  	[tilespmem:$0x620] =	vst v1;
	s23 =	sadd.s32 $0x1600, s1;
	[dreg:$0x7] =	wrdreg s22  }
0x18: {  	[tilespmem:$0x690] =	vst v0;
	s24 =	sadd.s32 $0x1E00, s1;
	[dreg:$0x8] =	wrdreg s23  }
0x19: {  	s6 =	sadd.s32 s7, s6;
	[tilespmem:$0x610] =	vst v1;
	s1 =	sadd.s32 $0x2600, s1;
	[dreg:$0x9] =	wrdreg s24  }
0x1a: {  	[tilespmem:$0x600] =	vst v1;
	s25 =	sadd.s32 $0x40E00, s6;
	[dreg:$0xa] =	wrdreg s1  }
0x1b: {  	[tilespmem:$0x680] =	vst v0;
	s6 =	simm.s32 $0x3;
	[dreg:$0xb] =	wrdreg s25  }
0x1c: {  	_ =	swait.ge [sflag:s6], $0x200  }
0x1d: {  	[sflag:s6] =	ssyncset.done $0x0  }
0x1e: {  	s8 =	simm.s32 $0x900;
	s7 =	simm.s32 $0x80;
	[sflag:s6] =	ssyncadd.s32 $0xFFFFFE00  }
0x1f: {  	[tilespmem:s8], [sflag:$0x1] =	stream.indirect.gather [hbm4b:s2+s7], $0x80, s5, s7, $0xb8;
	[tilespmem:$0x12200] =	vst v63  }
0x20: {  	s10 =	simm.s32 $0x4900;
	s9 =	simm.s32 $0x480  }
0x21: {  	[tilespmem:s10], [sflag:$0x1] =	stream.indirect.gather [hbm4b:s2+s7], $0x80, s9, s7, $0xb8;
	[tilespmem:$0x12200] =	vst v63  }
0x22: {  	s11 =	simm.s32 $0x500;
	s12 =	simm.s32 $0x8900  }
0x23: {  	[tilespmem:s12], [sflag:$0x1] =	stream.indirect.gather [hbm4b:s2+s7], $0x80, s11, s7, $0xb8;
	[tilespmem:$0x12200] =	vst v63  }
0x24: {  	s13 =	simm.s32 $0x580;
	s14 =	simm.s32 $0xC900  }
0x25: {  	[tilespmem:s14], [sflag:$0x1] =	stream.indirect.gather [hbm4b:s2+s7], $0x80, s13, s7, $0xb8;
	[tilespmem:$0x12200] =	vst v63  }
0x26: {  	_ =	swait.ge [sflag:s6], $0x400  }
0x27: {  	[sflag:s6] =	ssyncset.done $0x0  }
0x28: {  	s15 =	simm.s32 $0x680;
	[sflag:s6] =	ssyncadd.s32 $0xFFFFFC00  }
0x29: {  	[spmem:s3] =	stream.indirect.scatter [tilespmem:s15], [sflag:$0x2], $0x1, s4, s7, $0xb8;
	[tilespmem:$0x12200] =	vst v63  }
0x2a: {  	_ = 	snop  }
0x2b: {  	[spmem:s3] =	stream.indirect.scatter [tilespmem:s15], [sflag:$0x2], $0x1, s7, s7, $0xb8;
	[tilespmem:$0x12200] =	vst v63  }
0x2c: {  	s16 =	simm.s32 $0x100  }
0x2d: {  	[spmem:s3] =	stream.indirect.scatter [tilespmem:s15], [sflag:$0x2], $0x1, s16, s7, $0xb8;
	[tilespmem:$0x12200] =	vst v63  }
0x2e: {  	s17 =	simm.s32 $0x180  }
0x2f: {  	[spmem:s3] =	stream.indirect.scatter [tilespmem:s15], [sflag:$0x2], $0x1, s17, s7, $0xb8;
	[tilespmem:$0x12200] =	vst v63  }
0x30: {  	s18 =	simm.s32 $0x200  }
0x31: {  	[spmem:s3] =	stream.indirect.scatter [tilespmem:s15], [sflag:$0x2], $0x1, s18, s7, $0xb8;
	[tilespmem:$0x12200] =	vst v63  }
0x32: {  	s19 =	simm.s32 $0x280  }
0x33: {  	[spmem:s3] =	stream.indirect.scatter [tilespmem:s15], [sflag:$0x2], $0x1, s19, s7, $0xb8;
	[tilespmem:$0x12200] =	vst v63  }
0x34: {  	s20 =	simm.s32 $0x300  }
0x35: {  	[spmem:s3] =	stream.indirect.scatter [tilespmem:s15], [sflag:$0x2], $0x1, s20, s7, $0xb8;
	[tilespmem:$0x12200] =	vst v63  }
0x36: {  	s21 =	simm.s32 $0x380;
	s22 =	simm.s32 $0x2  }
0x37: {  	[spmem:s3] =	stream.indirect.scatter [tilespmem:s15], [sflag:$0x2], $0x1, s21, s7, $0xb8;
	[tilespmem:$0x12200] =	vst v63  }
0x38: {  	_ =	swait.ge [sflag:s22], $0x80  }
0x39: {  	[sflag:s22] =	ssyncset.done $0x0  }
0x3a: {  	[sflag:s22] =	ssyncadd.s32 $0xFFFFFF80  }
0x3b: {  	_ =	swait.ge [sflag:s22], $0x80  }
0x3c: {  	[sflag:s22] =	ssyncset.done $0x0  }
0x3d: {  	[sflag:s22] =	ssyncadd.s32 $0xFFFFFF80  }
0x3e: {  	_ =	swait.ge [sflag:s22], $0x80  }
0x3f: {  	[sflag:s22] =	ssyncset.done $0x0  }
0x40: {  	[sflag:s22] =	ssyncadd.s32 $0xFFFFFF80  }
0x41: {  	_ =	swait.ge [sflag:s22], $0x80  }
0x42: {  	[sflag:s22] =	ssyncset.done $0x0  }
0x43: {  	[sflag:s22] =	ssyncadd.s32 $0xFFFFFF80  }
0x44: {  	_ =	swait.ge [sflag:s22], $0x80  }
0x45: {  	[sflag:s22] =	ssyncset.done $0x0  }
0x46: {  	[sflag:s22] =	ssyncadd.s32 $0xFFFFFF80  }
0x47: {  	_ =	swait.ge [sflag:s22], $0x80  }
0x48: {  	[sflag:s22] =	ssyncset.done $0x0  }
0x49: {  	[sflag:s22] =	ssyncadd.s32 $0xFFFFFF80  }
0x4a: {  	_ =	swait.ge [sflag:s22], $0x80  }
0x4b: {  	[sflag:s22] =	ssyncset.done $0x0  }
0x4c: {  	[sflag:s22] =	ssyncadd.s32 $0xFFFFFF80  }
0x4d: {  	_ =	swait.ge [sflag:s22], $0x80  }
0x4e: {  	[sflag:s22] =	ssyncset.done $0x0  }
0x4f: {  	[sflag:s22] =	ssyncadd.s32 $0xFFFFFF80  }
0x50: {  	s23 =	simm.s32 $0x600;
	[bflag:$0x0] =	sbarrier.arrive $0xFFFF  }
0x51: {  	[spmem:s3] =	stream.indirect.scatter.add.f32 [tilespmem:s23], [sflag:$0x2], $0x1, s4, s7, $0xb8;
	[tilespmem:$0x12200] =	vst v63  }
0x52: {  	_ = 	snop  }
0x53: {  	[spmem:s3] =	stream.indirect.scatter.add.f32 [tilespmem:s23], [sflag:$0x2], $0x1, s7, s7, $0xb8;
	[tilespmem:$0x12200] =	vst v63  }
0x54: {  	_ = 	snop  }
0x55: {  	[spmem:s3] =	stream.indirect.scatter.add.f32 [tilespmem:s23], [sflag:$0x2], $0x1, s16, s7, $0xb8;
	[tilespmem:$0x12200] =	vst v63  }
0x56: {  	_ = 	snop  }
0x57: {  	[spmem:s3] =	stream.indirect.scatter.add.f32 [tilespmem:s23], [sflag:$0x2], $0x1, s17, s7, $0xb8;
	[tilespmem:$0x12200] =	vst v63  }
0x58: {  	_ = 	snop  }
0x59: {  	[spmem:s3] =	stream.indirect.scatter.add.f32 [tilespmem:s23], [sflag:$0x2], $0x1, s18, s7, $0xb8;
	[tilespmem:$0x12200] =	vst v63  }
0x5a: {  	_ = 	snop  }
0x5b: {  	[spmem:s3] =	stream.indirect.scatter.add.f32 [tilespmem:s23], [sflag:$0x2], $0x1, s19, s7, $0xb8;
	[tilespmem:$0x12200] =	vst v63  }
0x5c: {  	_ = 	snop  }
0x5d: {  	[spmem:s3] =	stream.indirect.scatter.add.f32 [tilespmem:s23], [sflag:$0x2], $0x1, s20, s7, $0xb8;
	[tilespmem:$0x12200] =	vst v63  }
0x5e: {  	_ = 	snop  }
0x5f: {  	[spmem:s3] =	stream.indirect.scatter.add.f32 [tilespmem:s23], [sflag:$0x2], $0x1, s21, s7, $0xb8;
	[tilespmem:$0x12200] =	vst v63  }
0x60: {  	_ =	swait.ge [sflag:s22], $0x80  }
0x61: {  	[sflag:s22] =	ssyncset.done $0x0  }
0x62: {  	[sflag:s22] =	ssyncadd.s32 $0xFFFFFF80  }
0x63: {  	_ =	swait.ge [sflag:s22], $0x80  }
0x64: {  	[sflag:s22] =	ssyncset.done $0x0  }
0x65: {  	[sflag:s22] =	ssyncadd.s32 $0xFFFFFF80  }
0x66: {  	_ =	swait.ge [sflag:s22], $0x80  }
0x67: {  	[sflag:s22] =	ssyncset.done $0x0  }
0x68: {  	[sflag:s22] =	ssyncadd.s32 $0xFFFFFF80  }
0x69: {  	_ =	swait.ge [sflag:s22], $0x80  }
0x6a: {  	[sflag:s22] =	ssyncset.done $0x0  }
0x6b: {  	[sflag:s22] =	ssyncadd.s32 $0xFFFFFF80  }
0x6c: {  	_ =	swait.ge [sflag:s22], $0x80  }
0x6d: {  	[sflag:s22] =	ssyncset.done $0x0  }
0x6e: {  	[sflag:s22] =	ssyncadd.s32 $0xFFFFFF80  }
0x6f: {  	_ =	swait.ge [sflag:s22], $0x80  }
0x70: {  	[sflag:s22] =	ssyncset.done $0x0  }
0x71: {  	[sflag:s22] =	ssyncadd.s32 $0xFFFFFF80  }
0x72: {  	_ =	swait.ge [sflag:s22], $0x80  }
0x73: {  	[sflag:s22] =	ssyncset.done $0x0  }
0x74: {  	[sflag:s22] =	ssyncadd.s32 $0xFFFFFF80  }
0x75: {  	_ =	swait.ge [sflag:s22], $0x80  }
0x76: {  	[sflag:s22] =	ssyncset.done $0x0  }
0x77: {  	[sflag:s22] =	ssyncadd.s32 $0xFFFFFF80  }
0x78: {  	s24 =	simm.s32 $0x700;
	[bflag:$0x0] =	sbarrier.arrive $0xFFFF  }
0x79: {  	[tilespmem:s24], [sflag:$0x3] =	stream.indirect.gather [spmem:s3], $0x1, s5, s7, $0xb8;
	[tilespmem:$0x12200] =	vst v63  }
0x7a: {  	s26 =	simm.s32 $0x780  }
0x7b: {  	[tilespmem:s26], [sflag:$0x3] =	stream.indirect.gather [spmem:s3], $0x1, s9, s7, $0xb8;
	[tilespmem:$0x12200] =	vst v63  }
0x7c: {  	s26 =	simm.s32 $0x800  }
0x7d: {  	[tilespmem:s26], [sflag:$0x3] =	stream.indirect.gather [spmem:s3], $0x1, s11, s7, $0xb8;
	[tilespmem:$0x12200] =	vst v63  }
0x7e: {  	s28 =	simm.s32 $0x880;
	s29 =	simm.s32 $0x1  }
0x7f: {  	[tilespmem:s28], [sflag:$0x3] =	stream.indirect.gather [spmem:s3], $0x1, s13, s7, $0xb8;
	[tilespmem:$0x12200] =	vst v63  }
0x80: {  	_ =	swait.ge [sflag:s29], $0x4000  }
0x81: {  	[sflag:s29] =	ssyncset.done $0x0  }
0x82: {  	s25 =	rddreg [dreg:$0x7];
	[sflag:s29] =	ssyncadd.s32 $0xFFFFC000  }
0x83: {  	[hbm4b:s25+s4] =	stream.linear.scatter [tilespmem:s8], [sflag:$0x4], $0x4000, $0x38;
	[tilespmem:$0x12200] =	vst v63  }
0x84: {  	_ =	swait.ge [sflag:s29], $0x4000  }
0x85: {  	[sflag:s29] =	ssyncset.done $0x0  }
0x86: {  	s25 =	rddreg [dreg:$0x8];
	[sflag:s29] =	ssyncadd.s32 $0xFFFFC000  }
0x87: {  	[hbm4b:s25+s4] =	stream.linear.scatter [tilespmem:s10], [sflag:$0x4], $0x4000, $0x38;
	[tilespmem:$0x12200] =	vst v63  }
0x88: {  	_ =	swait.ge [sflag:s29], $0x4000  }
0x89: {  	[sflag:s29] =	ssyncset.done $0x0  }
0x8a: {  	s25 =	rddreg [dreg:$0x9];
	[sflag:s29] =	ssyncadd.s32 $0xFFFFC000  }
0x8b: {  	[hbm4b:s25+s4] =	stream.linear.scatter [tilespmem:s12], [sflag:$0x4], $0x4000, $0x38;
	[tilespmem:$0x12200] =	vst v63  }
0x8c: {  	_ =	swait.ge [sflag:s29], $0x4000  }
0x8d: {  	[sflag:s29] =	ssyncset.done $0x0  }
0x8e: {  	s25 =	rddreg [dreg:$0xa];
	[sflag:s29] =	ssyncadd.s32 $0xFFFFC000  }
0x8f: {  	[hbm4b:s25+s4] =	stream.linear.scatter [tilespmem:s14], [sflag:$0x4], $0x4000, $0x38;
	[tilespmem:$0x12200] =	vst v63  }
0x90: {  	_ =	swait.ge [sflag:s6], $0x80  }
0x91: {  	[sflag:s6] =	ssyncset.done $0x0  }
0x92: {  	s0 =	ssub.s32 $0x2, s0;
	[sflag:s6] =	ssyncadd.s32 $0xFFFFFF80  }
0x93: {  	s25 =	sshrl.u32 s0, $0x1;
	_ =	swait.ge [sflag:s6], $0x80  }
0x94: {  	s0 =	ssub.s32 s0, s25;
	[sflag:s6] =	ssyncset.done $0x0  }
0x95: {  	s0 =	smax.u32 s0, $0x1;
	[sflag:s6] =	ssyncadd.s32 $0xFFFFFF80  }
0x96: {  	p0 =	sne.s32 s0, $0x1;
	_ =	swait.ge [sflag:s6], $0x80  }
.Ltmp0:
0x97: {  	[sflag:s6] =	ssyncset.done $0x0;
	(pc) =	sbr.rel @!p0 .LBB2_2-.Ltmp0, $4  }
0x98: {  	[sflag:s6] =	ssyncadd.s32 $0xFFFFFF80  }
0x99: {  	_ =	swait.ge [sflag:s6], $0x80  }
0x9a: {  	s31 =	simm.s32 $0x5;
	s30 =	simm.s32 $0x4;
	[sflag:s6] =	ssyncset.done $0x0  }
0x9b: {  	s0 =	sadd.s32 $0xFFFFFFFF, s0;
	s1 =	rddreg [dreg:$0xb];
	[sflag:s6] =	ssyncadd.s32 $0xFFFFFF80  }
.LBB2_1:
0x9c: {  	[hbm4b:s1+s4] =	stream.linear.scatter [tilespmem:s24], [sflag:$0x5], $0x200, $0x38;
	[tilespmem:$0x12200] =	vst v63  }
0x9d: {  	_ =	swait.ge [sflag:s31], $0x200  }
0x9e: {  	[sflag:s31] =	ssyncset.done $0x0  }
0x9f: {  	[sflag:s31] =	ssyncadd.s32 $0xFFFFFE00  }
0xa0: {  	_ =	swait.ge [sflag:s30], $0x4000  }
0xa1: {  	[sflag:s30] =	ssyncset.done $0x0  }
0xa2: {  	[sflag:s30] =	ssyncadd.s32 $0xFFFFC000  }
0xa3: {  	_ =	swait.ge [sflag:s30], $0x4000  }
0xa4: {  	[sflag:s30] =	ssyncset.done $0x0  }
0xa5: {  	[sflag:s30] =	ssyncadd.s32 $0xFFFFC000  }
0xa6: {  	_ =	swait.ge [sflag:s30], $0x4000  }
0xa7: {  	[sflag:s30] =	ssyncset.done $0x0  }
0xa8: {  	[sflag:s30] =	ssyncadd.s32 $0xFFFFC000  }
0xa9: {  	_ =	swait.ge [sflag:s30], $0x4000  }
0xaa: {  	[sflag:s30] =	ssyncset.done $0x0  }
0xab: {  	s1 =	rddreg [dreg:$0x5];
	[sflag:s30] =	ssyncadd.s32 $0xFFFFC000  }
0xac: {  	[tilespmem:s5], [sflag:$0x3] =	stream.linear.gather [hbm4b:s1+s4], $0x200, $0x38;
	[tilespmem:$0x12200] =	vst v63  }
0xad: {  	s25 =	rddreg [dreg:$0x6]  }
0xae: {  	[tilespmem:s4], [sflag:$0x3] =	stream.linear.gather [hbm4b:s25+s4], $0x400, $0x38;
	[tilespmem:$0x12200] =	vst v63  }
0xaf: {  	[tilespmem:$0x6F0] =	vst v0  }
0xb0: {  	[tilespmem:$0x670] =	vst v1  }
0xb1: {  	[tilespmem:$0x6E0] =	vst v0  }
0xb2: {  	[tilespmem:$0x660] =	vst v1  }
0xb3: {  	[tilespmem:$0x6D0] =	vst v0  }
0xb4: {  	[tilespmem:$0x650] =	vst v1  }
0xb5: {  	[tilespmem:$0x6C0] =	vst v0  }
0xb6: {  	[tilespmem:$0x640] =	vst v1  }
0xb7: {  	[tilespmem:$0x6B0] =	vst v0  }
0xb8: {  	[tilespmem:$0x630] =	vst v1  }
0xb9: {  	[tilespmem:$0x6A0] =	vst v0  }
0xba: {  	[tilespmem:$0x620] =	vst v1  }
0xbb: {  	[tilespmem:$0x690] =	vst v0  }
0xbc: {  	[tilespmem:$0x610] =	vst v1  }
0xbd: {  	[tilespmem:$0x600] =	vst v1  }
0xbe: {  	[tilespmem:$0x680] =	vst v0  }
0xbf: {  	_ =	swait.ge [sflag:s6], $0x200  }
0xc0: {  	[sflag:s6] =	ssyncset.done $0x0  }
0xc1: {  	[sflag:s6] =	ssyncadd.s32 $0xFFFFFE00  }
0xc2: {  	[tilespmem:s8], [sflag:$0x1] =	stream.indirect.gather [hbm4b:s2+s7], $0x80, s5, s7, $0xb8;
	[tilespmem:$0x12200] =	vst v63  }
0xc3: {  	_ = 	snop  }
0xc4: {  	[tilespmem:s10], [sflag:$0x1] =	stream.indirect.gather [hbm4b:s2+s7], $0x80, s9, s7, $0xb8;
	[tilespmem:$0x12200] =	vst v63  }
0xc5: {  	_ = 	snop  }
0xc6: {  	[tilespmem:s12], [sflag:$0x1] =	stream.indirect.gather [hbm4b:s2+s7], $0x80, s11, s7, $0xb8;
	[tilespmem:$0x12200] =	vst v63  }
0xc7: {  	_ = 	snop  }
0xc8: {  	[tilespmem:s14], [sflag:$0x1] =	stream.indirect.gather [hbm4b:s2+s7], $0x80, s13, s7, $0xb8;
	[tilespmem:$0x12200] =	vst v63  }
0xc9: {  	_ =	swait.ge [sflag:s6], $0x400  }
0xca: {  	[sflag:s6] =	ssyncset.done $0x0  }
0xcb: {  	[sflag:s6] =	ssyncadd.s32 $0xFFFFFC00  }
0xcc: {  	[spmem:s3] =	stream.indirect.scatter [tilespmem:s15], [sflag:$0x2], $0x1, s4, s7, $0xb8;
	[tilespmem:$0x12200] =	vst v63  }
0xcd: {  	_ = 	snop  }
0xce: {  	[spmem:s3] =	stream.indirect.scatter [tilespmem:s15], [sflag:$0x2], $0x1, s7, s7, $0xb8;
	[tilespmem:$0x12200] =	vst v63  }
0xcf: {  	_ = 	snop  }
0xd0: {  	[spmem:s3] =	stream.indirect.scatter [tilespmem:s15], [sflag:$0x2], $0x1, s16, s7, $0xb8;
	[tilespmem:$0x12200] =	vst v63  }
0xd1: {  	_ = 	snop  }
0xd2: {  	[spmem:s3] =	stream.indirect.scatter [tilespmem:s15], [sflag:$0x2], $0x1, s17, s7, $0xb8;
	[tilespmem:$0x12200] =	vst v63  }
0xd3: {  	_ = 	snop  }
0xd4: {  	[spmem:s3] =	stream.indirect.scatter [tilespmem:s15], [sflag:$0x2], $0x1, s18, s7, $0xb8;
	[tilespmem:$0x12200] =	vst v63  }
0xd5: {  	_ = 	snop  }
0xd6: {  	[spmem:s3] =	stream.indirect.scatter [tilespmem:s15], [sflag:$0x2], $0x1, s19, s7, $0xb8;
	[tilespmem:$0x12200] =	vst v63  }
0xd7: {  	_ = 	snop  }
0xd8: {  	[spmem:s3] =	stream.indirect.scatter [tilespmem:s15], [sflag:$0x2], $0x1, s20, s7, $0xb8;
	[tilespmem:$0x12200] =	vst v63  }
0xd9: {  	_ = 	snop  }
0xda: {  	[spmem:s3] =	stream.indirect.scatter [tilespmem:s15], [sflag:$0x2], $0x1, s21, s7, $0xb8;
	[tilespmem:$0x12200] =	vst v63  }
0xdb: {  	_ =	swait.ge [sflag:s22], $0x80  }
0xdc: {  	[sflag:s22] =	ssyncset.done $0x0  }
0xdd: {  	[sflag:s22] =	ssyncadd.s32 $0xFFFFFF80  }
0xde: {  	_ =	swait.ge [sflag:s22], $0x80  }
0xdf: {  	[sflag:s22] =	ssyncset.done $0x0  }
0xe0: {  	[sflag:s22] =	ssyncadd.s32 $0xFFFFFF80  }
0xe1: {  	_ =	swait.ge [sflag:s22], $0x80  }
0xe2: {  	[sflag:s22] =	ssyncset.done $0x0  }
0xe3: {  	[sflag:s22] =	ssyncadd.s32 $0xFFFFFF80  }
0xe4: {  	_ =	swait.ge [sflag:s22], $0x80  }
0xe5: {  	[sflag:s22] =	ssyncset.done $0x0  }
0xe6: {  	[sflag:s22] =	ssyncadd.s32 $0xFFFFFF80  }
0xe7: {  	_ =	swait.ge [sflag:s22], $0x80  }
0xe8: {  	[sflag:s22] =	ssyncset.done $0x0  }
0xe9: {  	[sflag:s22] =	ssyncadd.s32 $0xFFFFFF80  }
0xea: {  	_ =	swait.ge [sflag:s22], $0x80  }
0xeb: {  	[sflag:s22] =	ssyncset.done $0x0  }
0xec: {  	[sflag:s22] =	ssyncadd.s32 $0xFFFFFF80  }
0xed: {  	_ =	swait.ge [sflag:s22], $0x80  }
0xee: {  	[sflag:s22] =	ssyncset.done $0x0  }
0xef: {  	[sflag:s22] =	ssyncadd.s32 $0xFFFFFF80  }
0xf0: {  	_ =	swait.ge [sflag:s22], $0x80  }
0xf1: {  	[sflag:s22] =	ssyncset.done $0x0  }
0xf2: {  	[sflag:s22] =	ssyncadd.s32 $0xFFFFFF80  }
0xf3: {  	[bflag:$0x0] =	sbarrier.arrive $0xFFFF  }
0xf4: {  	[spmem:s3] =	stream.indirect.scatter.add.f32 [tilespmem:s23], [sflag:$0x2], $0x1, s4, s7, $0xb8;
	[tilespmem:$0x12200] =	vst v63  }
0xf5: {  	_ = 	snop  }
0xf6: {  	[spmem:s3] =	stream.indirect.scatter.add.f32 [tilespmem:s23], [sflag:$0x2], $0x1, s7, s7, $0xb8;
	[tilespmem:$0x12200] =	vst v63  }
0xf7: {  	_ = 	snop  }
0xf8: {  	[spmem:s3] =	stream.indirect.scatter.add.f32 [tilespmem:s23], [sflag:$0x2], $0x1, s16, s7, $0xb8;
	[tilespmem:$0x12200] =	vst v63  }
0xf9: {  	_ = 	snop  }
0xfa: {  	[spmem:s3] =	stream.indirect.scatter.add.f32 [tilespmem:s23], [sflag:$0x2], $0x1, s17, s7, $0xb8;
	[tilespmem:$0x12200] =	vst v63  }
0xfb: {  	_ = 	snop  }
0xfc: {  	[spmem:s3] =	stream.indirect.scatter.add.f32 [tilespmem:s23], [sflag:$0x2], $0x1, s18, s7, $0xb8;
	[tilespmem:$0x12200] =	vst v63  }
0xfd: {  	_ = 	snop  }
0xfe: {  	[spmem:s3] =	stream.indirect.scatter.add.f32 [tilespmem:s23], [sflag:$0x2], $0x1, s19, s7, $0xb8;
	[tilespmem:$0x12200] =	vst v63  }
0xff: {  	_ = 	snop  }
0x100: {  	[spmem:s3] =	stream.indirect.scatter.add.f32 [tilespmem:s23], [sflag:$0x2], $0x1, s20, s7, $0xb8;
	[tilespmem:$0x12200] =	vst v63  }
0x101: {  	_ = 	snop  }
0x102: {  	[spmem:s3] =	stream.indirect.scatter.add.f32 [tilespmem:s23], [sflag:$0x2], $0x1, s21, s7, $0xb8;
	[tilespmem:$0x12200] =	vst v63  }
0x103: {  	_ =	swait.ge [sflag:s22], $0x80  }
0x104: {  	[sflag:s22] =	ssyncset.done $0x0  }
0x105: {  	[sflag:s22] =	ssyncadd.s32 $0xFFFFFF80  }
0x106: {  	_ =	swait.ge [sflag:s22], $0x80  }
0x107: {  	[sflag:s22] =	ssyncset.done $0x0  }
0x108: {  	[sflag:s22] =	ssyncadd.s32 $0xFFFFFF80  }
0x109: {  	_ =	swait.ge [sflag:s22], $0x80  }
0x10a: {  	[sflag:s22] =	ssyncset.done $0x0  }
0x10b: {  	[sflag:s22] =	ssyncadd.s32 $0xFFFFFF80  }
0x10c: {  	_ =	swait.ge [sflag:s22], $0x80  }
0x10d: {  	[sflag:s22] =	ssyncset.done $0x0  }
0x10e: {  	[sflag:s22] =	ssyncadd.s32 $0xFFFFFF80  }
0x10f: {  	_ =	swait.ge [sflag:s22], $0x80  }
0x110: {  	[sflag:s22] =	ssyncset.done $0x0  }
0x111: {  	[sflag:s22] =	ssyncadd.s32 $0xFFFFFF80  }
0x112: {  	_ =	swait.ge [sflag:s22], $0x80  }
0x113: {  	[sflag:s22] =	ssyncset.done $0x0  }
0x114: {  	[sflag:s22] =	ssyncadd.s32 $0xFFFFFF80  }
0x115: {  	_ =	swait.ge [sflag:s22], $0x80  }
0x116: {  	[sflag:s22] =	ssyncset.done $0x0  }
0x117: {  	[sflag:s22] =	ssyncadd.s32 $0xFFFFFF80  }
0x118: {  	_ =	swait.ge [sflag:s22], $0x80  }
0x119: {  	[sflag:s22] =	ssyncset.done $0x0  }
0x11a: {  	[sflag:s22] =	ssyncadd.s32 $0xFFFFFF80  }
0x11b: {  	[bflag:$0x0] =	sbarrier.arrive $0xFFFF  }
0x11c: {  	[tilespmem:s24], [sflag:$0x3] =	stream.indirect.gather [spmem:s3], $0x1, s5, s7, $0xb8;
	[tilespmem:$0x12200] =	vst v63  }
0x11d: {  	s25 =	simm.s32 $0x780  }
0x11e: {  	[tilespmem:s25], [sflag:$0x3] =	stream.indirect.gather [spmem:s3], $0x1, s9, s7, $0xb8;
	[tilespmem:$0x12200] =	vst v63  }
0x11f: {  	_ = 	snop  }
0x120: {  	[tilespmem:s26], [sflag:$0x3] =	stream.indirect.gather [spmem:s3], $0x1, s11, s7, $0xb8;
	[tilespmem:$0x12200] =	vst v63  }
0x121: {  	_ = 	snop  }
0x122: {  	[tilespmem:s28], [sflag:$0x3] =	stream.indirect.gather [spmem:s3], $0x1, s13, s7, $0xb8;
	[tilespmem:$0x12200] =	vst v63  }
0x123: {  	_ =	swait.ge [sflag:s29], $0x4000  }
0x124: {  	[sflag:s29] =	ssyncset.done $0x0  }
0x125: {  	s25 =	rddreg [dreg:$0x7];
	[sflag:s29] =	ssyncadd.s32 $0xFFFFC000  }
0x126: {  	[hbm4b:s25+s4] =	stream.linear.scatter [tilespmem:s8], [sflag:$0x4], $0x4000, $0x38;
	[tilespmem:$0x12200] =	vst v63  }
0x127: {  	_ =	swait.ge [sflag:s29], $0x4000  }
0x128: {  	[sflag:s29] =	ssyncset.done $0x0  }
0x129: {  	s25 =	rddreg [dreg:$0x8];
	[sflag:s29] =	ssyncadd.s32 $0xFFFFC000  }
0x12a: {  	[hbm4b:s25+s4] =	stream.linear.scatter [tilespmem:s10], [sflag:$0x4], $0x4000, $0x38;
	[tilespmem:$0x12200] =	vst v63  }
0x12b: {  	_ =	swait.ge [sflag:s29], $0x4000  }
0x12c: {  	[sflag:s29] =	ssyncset.done $0x0  }
0x12d: {  	s25 =	rddreg [dreg:$0x9];
	[sflag:s29] =	ssyncadd.s32 $0xFFFFC000  }
0x12e: {  	[hbm4b:s25+s4] =	stream.linear.scatter [tilespmem:s12], [sflag:$0x4], $0x4000, $0x38;
	[tilespmem:$0x12200] =	vst v63  }
0x12f: {  	_ =	swait.ge [sflag:s29], $0x4000  }
0x130: {  	[sflag:s29] =	ssyncset.done $0x0  }
0x131: {  	s25 =	rddreg [dreg:$0xa];
	[sflag:s29] =	ssyncadd.s32 $0xFFFFC000  }
0x132: {  	[hbm4b:s25+s4] =	stream.linear.scatter [tilespmem:s14], [sflag:$0x4], $0x4000, $0x38;
	[tilespmem:$0x12200] =	vst v63  }
0x133: {  	_ =	swait.ge [sflag:s6], $0x80  }
0x134: {  	[sflag:s6] =	ssyncset.done $0x0  }
0x135: {  	[sflag:s6] =	ssyncadd.s32 $0xFFFFFF80  }
0x136: {  	_ =	swait.ge [sflag:s6], $0x80  }
0x137: {  	[sflag:s6] =	ssyncset.done $0x0  }
0x138: {  	[sflag:s6] =	ssyncadd.s32 $0xFFFFFF80  }
0x139: {  	p0 =	sne.s32 s0, $0x1;
	_ =	swait.ge [sflag:s6], $0x80  }
.Ltmp1:
0x13a: {  	[sflag:s6] =	ssyncset.done $0x0;
	(pc) =	sbr.rel @p0 .LBB2_1-.Ltmp1, $4  }
0x13b: {  	[sflag:s6] =	ssyncadd.s32 $0xFFFFFF80  }
0x13c: {  	_ =	swait.ge [sflag:s6], $0x80  }
0x13d: {  	[sflag:s6] =	ssyncset.done $0x0  }
0x13e: {  	s0 =	sadd.s32 $0xFFFFFFFF, s0;
	s1 =	rddreg [dreg:$0xb];
	[sflag:s6] =	ssyncadd.s32 $0xFFFFFF80  }
.LBB2_2:
0x13f: {  	[hbm4b:s1+s4] =	stream.linear.scatter [tilespmem:s24], [sflag:$0x5], $0x200, $0x38;
	[tilespmem:$0x12200] =	vst v63  }
0x140: {  	_ =	swait.ge [sflag:s31], $0x200  }
0x141: {  	[sflag:s31] =	ssyncset.done $0x0  }
0x142: {  	[sflag:s31] =	ssyncadd.s32 $0xFFFFFE00  }
0x143: {  	_ =	swait.ge [sflag:s30], $0x4000  }
0x144: {  	[sflag:s30] =	ssyncset.done $0x0  }
0x145: {  	[sflag:s30] =	ssyncadd.s32 $0xFFFFC000  }
0x146: {  	_ =	swait.ge [sflag:s30], $0x4000  }
0x147: {  	[sflag:s30] =	ssyncset.done $0x0  }
0x148: {  	[sflag:s30] =	ssyncadd.s32 $0xFFFFC000  }
0x149: {  	_ =	swait.ge [sflag:s30], $0x4000  }
0x14a: {  	[sflag:s30] =	ssyncset.done $0x0  }
0x14b: {  	[sflag:s30] =	ssyncadd.s32 $0xFFFFC000  }
0x14c: {  	_ =	swait.ge [sflag:s30], $0x4000  }
0x14d: {  	[sflag:s30] =	ssyncset.done $0x0  }
0x14e: {  	[sflag:s30] =	ssyncadd.s32 $0xFFFFC000  }
0x14f: {  	_ =	sfence.sel $0x180000  }
0x150: {  	[bflag:$0x0] =	sbarrier.arrive $0xFFFF  }
0x151: {  	_ =	strace $0x90000047  }
0x152: {  	s0 =	stileid.u32;
	[bflag:$0x2] =	sbarrier.arrive $0xFFFF  }
0x153: {  	p0 =	sne.s32 s0, $0x0;
	s0 =	rddreg [dreg:$0x4]  }
0x154: {  	s0 =	sadd.s32 @!p0 $0x100000, s0  }
0x155: {  	[sflag:s0] =	ssyncadd.tile.s32 @!p0 $0x1;
	_ =	shalt  }
.Lfunc_end2:
_tile_overlayer_lowered:
.L_overlay_start_2:
0x156: {  	(tag) =	ssettag $0x2  }
0x157: {  	s0 =	rddreg [dreg:$0x0];
	s2 =	stileid.u32  }
0x158: {  	s1 =	rddreg [dreg:$0x1];
	p0 =	sne.s32 s2, $0x0  }
0x159: {  	s3 =	rddreg [dreg:$0x2];
	[bflag:$0x3] =	sbarrier.arrive $0xFFFF;
	s2 =	simm.s32 @!p0 $0x1C05  }
0x15a: {  	[timem:s3], [sflag:s2] =	dma.local @!p0 [hbm:s0], s1  }
0x15b: {  	s0 =	simm.s32 @!p0 $0x5  }
0x15c: {  	_ =	swait.ge @!p0 [sflag:s0], s1  }
0x15d: {  	s1 =	ssub.s32 @!p0 $0x0, s1;
	[sflag:s0] =	ssyncset.done @!p0 $0x0  }
0x15e: {  	[sflag:s0] =	ssyncadd.s32 @!p0 s1  }
0x15f: {  	[bflag:$0x3] =	sbarrier.arrive $0xFFFF  }
0x160: {  	_ =	shalt  }

</sc_bundles>
